<compile_context>
chip_gen: v7x
topology: tpu7x:2x2x1
jax: 0.10.2.dev20260603
libtpu: 0.0.44.dev20260713+nightly
codegen_flags: <defaults>
</compile_context>

<pallas_src>
import functools

import jax
import jax.numpy as jnp
import numpy as np
from jax import lax
from jax.experimental import pallas as pl
from jax.experimental.pallas import tpu as pltpu
from jax.experimental.pallas import tpu_sc as plsc

_B = 8
_N = 4096
_S = 1024
_K = 32
_R2 = np.float32(0.3 ** 2)
_NTILES = 32
_QPT = (_B * _S) // _NTILES
_TPB = _NTILES // _B
_CHUNKS = _N // 16


def _fps_body(x_ref, y_ref, qx_ref, qy_ref, qn_ref, nx_ref,
              xb_ref, yb_ref, qxb_ref, qyb_ref):
    x = x_ref[...]
    y = y_ref[...]
    nx = x * x + y * y
    nx_ref[...] = nx
    xb_ref[...] = x.astype(jnp.bfloat16).astype(jnp.float32)
    yb_ref[...] = y.astype(jnp.bfloat16).astype(jnp.float32)
    iota = lax.broadcasted_iota(jnp.int32, (_B, _N), 1)
    zero = jnp.zeros_like(x)

    dist0 = jnp.full((_B, _N), 1e10, dtype=jnp.float32)
    far0 = jnp.zeros((_B, 1), dtype=jnp.int32)

    lane128 = lax.broadcasted_iota(jnp.int32, (_B, 128), 1)

    def step(k, carry):
        dist, far = carry
        eq = iota == far
        cx = jnp.sum(jnp.where(eq, x, zero), axis=1, keepdims=True)
        cy = jnp.sum(jnp.where(eq, y, zero), axis=1, keepdims=True)
        blk = pl.multiple_of((k // 128) * 128, 128)
        sel = lane128 == (k % 128)
        for ref, val in ((qx_ref, cx), (qy_ref, cy)):
            cur = ref[:, pl.ds(blk, 128)]
            ref[:, pl.ds(blk, 128)] = jnp.where(sel, val, cur)
        d = (x - cx) ** 2 + (y - cy) ** 2
        dist = jnp.minimum(dist, d)
        m = jnp.max(dist, axis=1, keepdims=True)
        far_new = jnp.min(jnp.where(dist == m, iota, _N), axis=1, keepdims=True)
        return dist, far_new.astype(jnp.int32)

    lax.fori_loop(0, _S, step, (dist0, far0))
    qx = qx_ref[...]
    qy = qy_ref[...]
    qn_ref[...] = qx * qx + qy * qy
    qxb_ref[...] = qx.astype(jnp.bfloat16).astype(jnp.float32)
    qyb_ref[...] = qy.astype(jnp.bfloat16).astype(jnp.float32)


def _fps(x, y):
    return pl.pallas_call(
        _fps_body,
        out_shape=[
            jax.ShapeDtypeStruct((_B, _S), jnp.float32),
            jax.ShapeDtypeStruct((_B, _S), jnp.float32),
            jax.ShapeDtypeStruct((_B, _S), jnp.float32),
            jax.ShapeDtypeStruct((_B, _N), jnp.float32),
            jax.ShapeDtypeStruct((_B, _N), jnp.float32),
            jax.ShapeDtypeStruct((_B, _N), jnp.float32),
            jax.ShapeDtypeStruct((_B, _S), jnp.float32),
            jax.ShapeDtypeStruct((_B, _S), jnp.float32),
        ],
    )(x, y)


def _ballq_impl(wid, xb_h, yb_h, nx_h, x_h, y_h, ex_h, ey_h, qxb_h, qyb_h,
                qn_h, g_out, txb, tyb, tnx, tx, ty, tex, tey, qxv, qyv, qnv,
                b0, b1, b2, b3):
    bufs = [b0, b1, b2, b3]
    b = wid // _TPB
    qbase = (wid % _TPB) * _QPT

    pltpu.sync_copy(xb_h.at[b], txb)
    pltpu.sync_copy(yb_h.at[b], tyb)
    pltpu.sync_copy(nx_h.at[b], tnx)
    pltpu.sync_copy(x_h.at[b], tx)
    pltpu.sync_copy(y_h.at[b], ty)
    pltpu.sync_copy(ex_h.at[b], tex)
    pltpu.sync_copy(ey_h.at[b], tey)
    pltpu.sync_copy(qxb_h.at[b, pl.ds(qbase, _QPT)], qxv.at[pl.ds(0, _QPT)])
    pltpu.sync_copy(qyb_h.at[b, pl.ds(qbase, _QPT)], qyv.at[pl.ds(0, _QPT)])
    pltpu.sync_copy(qn_h.at[b, pl.ds(qbase, _QPT)], qnv.at[pl.ds(0, _QPT)])

    lane = lax.iota(jnp.int32, 16)

    def qbody(s, _):
        qx_s = qxv[pl.ds(s, 16)][0]
        qy_s = qyv[pl.ds(s, 16)][0]
        qn_s = qnv[pl.ds(s, 16)][0]
        rowbase = s * _K

        def cond(st):
            cnt, chunk = st
            return jnp.logical_and(cnt < _K, chunk < _CHUNKS)

        def wbody(st):
            cnt, chunk = st
            base = chunk * 16
            xb16 = txb[pl.ds(base, 16)]
            yb16 = tyb[pl.ds(base, 16)]
            nx16 = tnx[pl.ds(base, 16)]
            mm = qx_s * xb16 + qy_s * yb16
            d = (-2.0 * mm + qn_s) + nx16
            msk = d <= _R2
            k = jnp.sum(msk.astype(jnp.int32))
            off = rowbase + cnt
            plsc.store_compressed(b0.at[pl.ds(off, 16)],
                                  tex[pl.ds(base, 16)], mask=msk)
            plsc.store_compressed(b1.at[pl.ds(off, 16)],
                                  tey[pl.ds(base, 16)], mask=msk)
            plsc.store_compressed(b2.at[pl.ds(off, 16)],
                                  tx[pl.ds(base, 16)], mask=msk)
            plsc.store_compressed(b3.at[pl.ds(off, 16)],
                                  ty[pl.ds(base, 16)], mask=msk)
            return cnt + k, chunk + 1

        cnt, _unused = lax.while_loop(cond, wbody,
                                      (jnp.int32(0), jnp.int32(0)))
        cfin = jnp.minimum(cnt, _K)

        for bc in bufs:
            first = bc[pl.ds(rowbase, 16)]
            v0 = jnp.sum(jnp.where(lane == 0, first,
                                   jnp.zeros_like(first)))
            lo = jnp.where(lane >= cfin, v0, first)
            bc[pl.ds(rowbase, 16)] = lo
            hi = bc[pl.ds(rowbase + 16, 16)]
            hi = jnp.where(lane + 16 >= cfin, v0, hi)
            bc[pl.ds(rowbase + 16, 16)] = hi
        return 0

    lax.fori_loop(0, _QPT, qbody, 0)

    for ch in range(4):
        pltpu.sync_copy(bufs[ch].at[pl.ds(0, _QPT * _K)],
                        g_out.at[b, ch, pl.ds(qbase * _K, _QPT * _K)])


def _ballq_body(*args):
    wid = lax.axis_index("s") * 2 + lax.axis_index("c")
    _ballq_impl(wid, *args)


_ballq = functools.partial(
    pl.kernel,
    out_type=jax.ShapeDtypeStruct((_B, 4, _S * _K), jnp.float32),
    mesh=plsc.VectorSubcoreMesh(core_axis_name="c", subcore_axis_name="s",
                                num_cores=2, num_subcores=16),
    scratch_types=(
        [pltpu.VMEM((_N,), jnp.float32)] * 7
        + [pltpu.VMEM((_QPT + 16,), jnp.float32)] * 3
        + [pltpu.VMEM((_QPT * _K + 16,), jnp.float32)] * 4
    ),
    compiler_params=pltpu.CompilerParams(needs_layout_passes=False),
)(_ballq_body)


def _norm_body(g_ref, a_ref, b_ref, out_ref):
    g = g_ref[0]
    m = jnp.mean(g, axis=-1, keepdims=True)
    v = g - m
    xbar = jnp.mean(v)
    std = jnp.sqrt(jnp.sum((v - xbar) ** 2) / np.float32(4 * _S * _K - 1))
    den = std + np.float32(1e-5)
    for c in range(4):
        out_ref[0, c] = (v[c] / den) * a_ref[c] + b_ref[c]


def _norm(g4, alpha4, beta4):
    return pl.pallas_call(
        _norm_body,
        grid=(_B,),
        in_specs=[
            pl.BlockSpec((1, 4, _S, _K), lambda i: (i, 0, 0, 0)),
            pl.BlockSpec(memory_space=pltpu.SMEM),
            pl.BlockSpec(memory_space=pltpu.SMEM),
        ],
        out_specs=pl.BlockSpec((1, 4, _S, _K), lambda i: (i, 0, 0, 0)),
        out_shape=jax.ShapeDtypeStruct((_B, 4, _S, _K), jnp.float32),
    )(g4, alpha4, beta4)


def kernel(xy, events, affine_alpha, affine_beta):
    x = xy[..., 0]
    y = xy[..., 1]
    ex = events[..., 0]
    ey = events[..., 1]

    qx, qy, qn, nx, xb, yb, qxb, qyb = _fps(x, y)
    new_xy = jnp.stack([qx, qy], axis=-1)

    g = _ballq(xb, yb, nx, x, y, ex, ey, qxb, qyb, qn)
    g4 = g.reshape(_B, 4, _S, _K)

    ne = _norm(g4, affine_alpha.reshape(4), affine_beta.reshape(4))
    new_events = jnp.transpose(ne, (0, 2, 3, 1))
    return (new_xy, new_events)

# --- scband reference (transcript-rebuilt; emitter-appended) ---
"""Pipeline reference for scband-sample-group-446676598875 (READ-ONLY COPY).

The authoritative reference and input builder live on the scoring server;
editing this copy changes nothing except your own understanding.
"""

import jax, jax.numpy as jnp
import numpy as np

NEVENT = 1024
RADIUS = 0.3
NSAMPLE = 32
CHANNEL = 4


def square_distance(src, dst):
    dist = -2.0 * jnp.matmul(src, jnp.swapaxes(dst, 1, 2))
    dist = dist + jnp.sum(src ** 2, axis=-1)[..., None]
    dist = dist + jnp.sum(dst ** 2, axis=-1)[:, None, :]
    return dist


def surface_event_sample(xy, npoint):
    # Farthest point sampling (standard implementation for the undefined
    # surface_event_sample; returns (None, fps_idx) matching '_, fps_idx = ...').
    B, N, C = xy.shape
    distance0 = jnp.full((B, N), 1e10, dtype=xy.dtype)
    farthest0 = jnp.zeros((B,), dtype=jnp.int32)

    def step(carry, _):
        distance, farthest = carry
        centroid = jnp.take_along_axis(xy, farthest[:, None, None].astype(jnp.int32), axis=1)  # [B,1,C]
        d = jnp.sum((xy - centroid) ** 2, axis=-1)
        distance = jnp.minimum(distance, d)
        new_far = jnp.argmax(distance, axis=-1).astype(jnp.int32)
        return (distance, new_far), farthest

    (_, _), idxs = jax.lax.scan(step, (distance0, farthest0), None, length=npoint)
    fps_idx = jnp.transpose(idxs)  # [B, npoint]
    return None, fps_idx


def index_events(events, idx):
    return jax.vmap(lambda e, i: e[i])(events, idx)


def research_circle(radius, nsample, xy, new_xy):
    B, N, C = xy.shape
    S = new_xy.shape[1]
    group_idx = jnp.broadcast_to(jnp.arange(N, dtype=jnp.int32)[None, None, :], (B, S, N))
    sqrdists = square_distance(new_xy, xy)
    group_idx = jnp.where(sqrdists > radius ** 2, N, group_idx)
    group_idx = jnp.sort(group_idx, axis=-1)[:, :, :nsample]
    group_first = jnp.broadcast_to(group_idx[:, :, 0:1], group_idx.shape)
    group_idx = jnp.where(group_idx == N, group_first, group_idx)
    return group_idx


def normalize_center(new_xy, new_events, grouped_xy, grouped_events, alpha, beta):
    B = new_xy.shape[0]
    grouped_events = jnp.concatenate([grouped_events, grouped_xy], axis=-1)
    mean = jnp.mean(grouped_events, axis=2, keepdims=True)
    std = jnp.std((grouped_events - mean).reshape(B, -1), axis=-1, keepdims=True, ddof=1)
    std = std[:, :, None, None]
    grouped_events = (grouped_events - mean) / (std + 1e-05)
    return alpha * grouped_events + beta


def setup_inputs(seed: int = 0) -> dict:
    key = jax.random.key(seed)
    k1, k2, k3, k4 = jax.random.split(key, 4)
    xy = jax.random.uniform(k1, (8, 4096, 2), dtype=jnp.float32)
    events = jax.random.normal(k2, (8, 4096, 2), dtype=jnp.float32)
    affine_alpha = jnp.ones((1, 1, 1, CHANNEL), dtype=jnp.float32)
    affine_beta = jnp.zeros((1, 1, 1, CHANNEL), dtype=jnp.float32)
    return {"xy": xy, "events": events, "affine_alpha": affine_alpha, "affine_beta": affine_beta}


def reference(xy, events, affine_alpha, affine_beta):
    B, N, C = xy.shape
    _, fps_idx = surface_event_sample(xy, NEVENT)
    new_xy = index_events(xy, fps_idx)
    idx = research_circle(RADIUS, NSAMPLE, xy, new_xy)
    grouped_xy = index_events(xy, idx)
    grouped_xy_norm = grouped_xy - new_xy.reshape(B, NEVENT, 1, C)
    new_events_c = index_events(events, fps_idx)
    grouped_events = index_events(events, idx)
    new_events = normalize_center(new_xy, new_events_c, grouped_xy, grouped_events, affine_alpha, affine_beta)
    return (new_xy, new_events)

if __name__ == "__main__":
    import jax
    _d = setup_inputs()
    print(jax.jit(kernel)(*tuple(_d.values())))

</pallas_src>

<mosaic_0001>
#map = affine_map<(d0, d1) -> (0, 0)>
#map1 = affine_map<(d0, d1) -> (0, 0, 0)>
module attributes {stable_mosaic.version = 14 : i64} {
  func.func @_ballq_body(%arg0: i32, %arg1: i32, %arg2: memref<8x4096xf32, #tpu.memory_space<hbm>>, %arg3: memref<8x4096xf32, #tpu.memory_space<hbm>>, %arg4: memref<8x4096xf32, #tpu.memory_space<hbm>>, %arg5: memref<8x4096xf32, #tpu.memory_space<hbm>>, %arg6: memref<8x4096xf32, #tpu.memory_space<hbm>>, %arg7: memref<8x4096xf32, #tpu.memory_space<hbm>>, %arg8: memref<8x4096xf32, #tpu.memory_space<hbm>>, %arg9: memref<8x1024xf32, #tpu.memory_space<hbm>>, %arg10: memref<8x1024xf32, #tpu.memory_space<hbm>>, %arg11: memref<8x1024xf32, #tpu.memory_space<hbm>>, %arg12: memref<8x4x32768xf32, #tpu.memory_space<hbm>>, %arg13: memref<4096xf32, #tpu.memory_space<vmem>>, %arg14: memref<4096xf32, #tpu.memory_space<vmem>>, %arg15: memref<4096xf32, #tpu.memory_space<vmem>>, %arg16: memref<4096xf32, #tpu.memory_space<vmem>>, %arg17: memref<4096xf32, #tpu.memory_space<vmem>>, %arg18: memref<4096xf32, #tpu.memory_space<vmem>>, %arg19: memref<4096xf32, #tpu.memory_space<vmem>>, %arg20: memref<272xf32, #tpu.memory_space<vmem>>, %arg21: memref<272xf32, #tpu.memory_space<vmem>>, %arg22: memref<272xf32, #tpu.memory_space<vmem>>, %arg23: memref<8208xf32, #tpu.memory_space<vmem>>, %arg24: memref<8208xf32, #tpu.memory_space<vmem>>, %arg25: memref<8208xf32, #tpu.memory_space<vmem>>, %arg26: memref<8208xf32, #tpu.memory_space<vmem>>) attributes {dimension_semantics = [#tpu.dimension_semantics<core_parallel>, #tpu.dimension_semantics<subcore_parallel>], iteration_bounds = array<i64: 2, 16>, scalar_prefetch = 0 : i64, scratch_operands = 14 : i64, tpu.core_type = #tpu.core_type<sc_vector_subcore>, window_params = [{transform_indices = #map}, {transform_indices = #map}, {transform_indices = #map}, {transform_indices = #map}, {transform_indices = #map}, {transform_indices = #map}, {transform_indices = #map}, {transform_indices = #map}, {transform_indices = #map}, {transform_indices = #map}, {transform_indices = #map1}]} {
    %mul3A = arith.constant 2 : i32
    %mul3A_0 = arith.muli %arg1, %mul3A : i32
    %add3A = arith.addi %mul3A_0, %arg0 : i32
    %jit3A = arith.constant 4 : i32
    %div3A = arith.divsi %add3A, %jit3A : i32
    %sign3A = arith.constant 0 : i32
    %sign3A_1 = arith.cmpi sgt, %add3A, %sign3A : i32
    %sign3A_2 = arith.extui %sign3A_1 : i1 to i32
    %sign3A_3 = arith.constant 0 : i32
    %sign3A_4 = arith.cmpi slt, %add3A, %sign3A_3 : i32
    %sign3A_5 = arith.extui %sign3A_4 : i1 to i32
    %sign3A_6 = arith.subi %sign3A_2, %sign3A_5 : i32
    %sign3A_7 = arith.constant 0 : i32
    %sign3A_8 = arith.cmpi sgt, %jit3A, %sign3A_7 : i32
    %sign3A_9 = arith.extui %sign3A_8 : i1 to i32
    %sign3A_10 = arith.constant 0 : i32
    %sign3A_11 = arith.cmpi slt, %jit3A, %sign3A_10 : i32
    %sign3A_12 = arith.extui %sign3A_11 : i1 to i32
    %sign3A_13 = arith.subi %sign3A_9, %sign3A_12 : i32
    %ne3A = arith.cmpi ne, %sign3A_6, %sign3A_13 : i32
    %rem3A = arith.remsi %add3A, %jit3A : i32
    %ne3A_14 = arith.constant 0 : i32
    %ne3A_15 = arith.cmpi ne, %rem3A, %ne3A_14 : i32
    %and3A = arith.andi %ne3A, %ne3A_15 : i1
    %sub3A = arith.constant 1 : i32
    %sub3A_16 = arith.subi %div3A, %sub3A : i32
    %select_n3A = arith.select %and3A, %sub3A_16, %div3A : i32
    %jit3A_17 = arith.constant 4 : i32
    %eq3A = arith.constant 0 : i32
    %eq3A_18 = arith.cmpi eq, %jit3A_17, %eq3A : i32
    %jit3A_19 = arith.constant 1 : i32
    %select_n3A_20 = arith.select %eq3A_18, %jit3A_19, %jit3A_17 : i32
    %rem3A_21 = arith.remsi %add3A, %select_n3A_20 : i32
    %ne3A_22 = arith.constant 0 : i32
    %ne3A_23 = arith.cmpi ne, %rem3A_21, %ne3A_22 : i32
    %lt3A = arith.constant 0 : i32
    %lt3A_24 = arith.cmpi slt, %rem3A_21, %lt3A : i32
    %lt3A_25 = arith.constant 0 : i32
    %lt3A_26 = arith.cmpi slt, %select_n3A_20, %lt3A_25 : i32
    %ne3A_27 = arith.xori %lt3A_24, %lt3A_26 : i1
    %and3A_28 = arith.andi %ne3A_27, %ne3A_23 : i1
    %add3A_29 = arith.addi %rem3A_21, %select_n3A_20 : i32
    %select_n3A_30 = arith.select %and3A_28, %add3A_29, %rem3A_21 : i32
    %mul3A_31 = arith.constant 256 : i32
    %mul3A_32 = arith.muli %select_n3A_30, %mul3A_31 : i32
    "tpu.region"() ({
      %run_scoped3A_50 = tpu.sem_alloc : memref<!tpu.dma_semaphore, #tpu.memory_space<semaphore_mem>>
      %dma_start3A = arith.constant 0 : i32
      %dma_start3A_51 = tpu.memref_slice %arg2[%select_n3A, %dma_start3A] : memref<8x4096xf32, #tpu.memory_space<hbm>> -> memref<1x4096xf32, #tpu.memory_space<hbm>>
      %dma_start3A_52 = tpu.memref_squeeze %dma_start3A_51 : memref<1x4096xf32, #tpu.memory_space<hbm>> -> memref<4096xf32, #tpu.memory_space<hbm>>
      %dma_start3A_53 = arith.constant 0 : i32
      %dma_start3A_54 = tpu.memref_slice %arg2[%select_n3A, %dma_start3A_53] : memref<8x4096xf32, #tpu.memory_space<hbm>> -> memref<1x4096xf32, #tpu.memory_space<hbm>>
      %dma_start3A_55 = tpu.memref_squeeze %dma_start3A_54 : memref<1x4096xf32, #tpu.memory_space<hbm>> -> memref<4096xf32, #tpu.memory_space<hbm>>
      tpu.enqueue_dma source(%dma_start3A_55 : memref<4096xf32, #tpu.memory_space<hbm>>) target(%arg13 : memref<4096xf32, #tpu.memory_space<vmem>>) target_semaphore(%run_scoped3A_50 : memref<!tpu.dma_semaphore, #tpu.memory_space<semaphore_mem>>)
      %dma_wait3A = arith.constant 0 : i32
      %dma_wait3A_56 = tpu.memref_slice %arg2[%select_n3A, %dma_wait3A] : memref<8x4096xf32, #tpu.memory_space<hbm>> -> memref<1x4096xf32, #tpu.memory_space<hbm>>
      %dma_wait3A_57 = tpu.memref_squeeze %dma_wait3A_56 : memref<1x4096xf32, #tpu.memory_space<hbm>> -> memref<4096xf32, #tpu.memory_space<hbm>>
      %dma_wait3A_58 = arith.constant 0 : i32
      %dma_wait3A_59 = tpu.memref_slice %arg2[%select_n3A, %dma_wait3A_58] : memref<8x4096xf32, #tpu.memory_space<hbm>> -> memref<1x4096xf32, #tpu.memory_space<hbm>>
      %dma_wait3A_60 = tpu.memref_squeeze %dma_wait3A_59 : memref<1x4096xf32, #tpu.memory_space<hbm>> -> memref<4096xf32, #tpu.memory_space<hbm>>
      tpu.wait_dma2 semaphore(%run_scoped3A_50 : memref<!tpu.dma_semaphore, #tpu.memory_space<semaphore_mem>>) src(%dma_wait3A_60 : memref<4096xf32, #tpu.memory_space<hbm>>) dst(%arg13 : memref<4096xf32, #tpu.memory_space<vmem>>)
      tpu.yield
    }) : () -> ()
    "tpu.region"() ({
      %run_scoped3A_50 = tpu.sem_alloc : memref<!tpu.dma_semaphore, #tpu.memory_space<semaphore_mem>>
      %dma_start3A = arith.constant 0 : i32
      %dma_start3A_51 = tpu.memref_slice %arg3[%select_n3A, %dma_start3A] : memref<8x4096xf32, #tpu.memory_space<hbm>> -> memref<1x4096xf32, #tpu.memory_space<hbm>>
      %dma_start3A_52 = tpu.memref_squeeze %dma_start3A_51 : memref<1x4096xf32, #tpu.memory_space<hbm>> -> memref<4096xf32, #tpu.memory_space<hbm>>
      %dma_start3A_53 = arith.constant 0 : i32
      %dma_start3A_54 = tpu.memref_slice %arg3[%select_n3A, %dma_start3A_53] : memref<8x4096xf32, #tpu.memory_space<hbm>> -> memref<1x4096xf32, #tpu.memory_space<hbm>>
      %dma_start3A_55 = tpu.memref_squeeze %dma_start3A_54 : memref<1x4096xf32, #tpu.memory_space<hbm>> -> memref<4096xf32, #tpu.memory_space<hbm>>
      tpu.enqueue_dma source(%dma_start3A_55 : memref<4096xf32, #tpu.memory_space<hbm>>) target(%arg14 : memref<4096xf32, #tpu.memory_space<vmem>>) target_semaphore(%run_scoped3A_50 : memref<!tpu.dma_semaphore, #tpu.memory_space<semaphore_mem>>)
      %dma_wait3A = arith.constant 0 : i32
      %dma_wait3A_56 = tpu.memref_slice %arg3[%select_n3A, %dma_wait3A] : memref<8x4096xf32, #tpu.memory_space<hbm>> -> memref<1x4096xf32, #tpu.memory_space<hbm>>
      %dma_wait3A_57 = tpu.memref_squeeze %dma_wait3A_56 : memref<1x4096xf32, #tpu.memory_space<hbm>> -> memref<4096xf32, #tpu.memory_space<hbm>>
      %dma_wait3A_58 = arith.constant 0 : i32
      %dma_wait3A_59 = tpu.memref_slice %arg3[%select_n3A, %dma_wait3A_58] : memref<8x4096xf32, #tpu.memory_space<hbm>> -> memref<1x4096xf32, #tpu.memory_space<hbm>>
      %dma_wait3A_60 = tpu.memref_squeeze %dma_wait3A_59 : memref<1x4096xf32, #tpu.memory_space<hbm>> -> memref<4096xf32, #tpu.memory_space<hbm>>
      tpu.wait_dma2 semaphore(%run_scoped3A_50 : memref<!tpu.dma_semaphore, #tpu.memory_space<semaphore_mem>>) src(%dma_wait3A_60 : memref<4096xf32, #tpu.memory_space<hbm>>) dst(%arg14 : memref<4096xf32, #tpu.memory_space<vmem>>)
      tpu.yield
    }) : () -> ()
    "tpu.region"() ({
      %run_scoped3A_50 = tpu.sem_alloc : memref<!tpu.dma_semaphore, #tpu.memory_space<semaphore_mem>>
      %dma_start3A = arith.constant 0 : i32
      %dma_start3A_51 = tpu.memref_slice %arg4[%select_n3A, %dma_start3A] : memref<8x4096xf32, #tpu.memory_space<hbm>> -> memref<1x4096xf32, #tpu.memory_space<hbm>>
      %dma_start3A_52 = tpu.memref_squeeze %dma_start3A_51 : memref<1x4096xf32, #tpu.memory_space<hbm>> -> memref<4096xf32, #tpu.memory_space<hbm>>
      %dma_start3A_53 = arith.constant 0 : i32
      %dma_start3A_54 = tpu.memref_slice %arg4[%select_n3A, %dma_start3A_53] : memref<8x4096xf32, #tpu.memory_space<hbm>> -> memref<1x4096xf32, #tpu.memory_space<hbm>>
      %dma_start3A_55 = tpu.memref_squeeze %dma_start3A_54 : memref<1x4096xf32, #tpu.memory_space<hbm>> -> memref<4096xf32, #tpu.memory_space<hbm>>
      tpu.enqueue_dma source(%dma_start3A_55 : memref<4096xf32, #tpu.memory_space<hbm>>) target(%arg15 : memref<4096xf32, #tpu.memory_space<vmem>>) target_semaphore(%run_scoped3A_50 : memref<!tpu.dma_semaphore, #tpu.memory_space<semaphore_mem>>)
      %dma_wait3A = arith.constant 0 : i32
      %dma_wait3A_56 = tpu.memref_slice %arg4[%select_n3A, %dma_wait3A] : memref<8x4096xf32, #tpu.memory_space<hbm>> -> memref<1x4096xf32, #tpu.memory_space<hbm>>
      %dma_wait3A_57 = tpu.memref_squeeze %dma_wait3A_56 : memref<1x4096xf32, #tpu.memory_space<hbm>> -> memref<4096xf32, #tpu.memory_space<hbm>>
      %dma_wait3A_58 = arith.constant 0 : i32
      %dma_wait3A_59 = tpu.memref_slice %arg4[%select_n3A, %dma_wait3A_58] : memref<8x4096xf32, #tpu.memory_space<hbm>> -> memref<1x4096xf32, #tpu.memory_space<hbm>>
      %dma_wait3A_60 = tpu.memref_squeeze %dma_wait3A_59 : memref<1x4096xf32, #tpu.memory_space<hbm>> -> memref<4096xf32, #tpu.memory_space<hbm>>
      tpu.wait_dma2 semaphore(%run_scoped3A_50 : memref<!tpu.dma_semaphore, #tpu.memory_space<semaphore_mem>>) src(%dma_wait3A_60 : memref<4096xf32, #tpu.memory_space<hbm>>) dst(%arg15 : memref<4096xf32, #tpu.memory_space<vmem>>)
      tpu.yield
    }) : () -> ()
    "tpu.region"() ({
      %run_scoped3A_50 = tpu.sem_alloc : memref<!tpu.dma_semaphore, #tpu.memory_space<semaphore_mem>>
      %dma_start3A = arith.constant 0 : i32
      %dma_start3A_51 = tpu.memref_slice %arg5[%select_n3A, %dma_start3A] : memref<8x4096xf32, #tpu.memory_space<hbm>> -> memref<1x4096xf32, #tpu.memory_space<hbm>>
      %dma_start3A_52 = tpu.memref_squeeze %dma_start3A_51 : memref<1x4096xf32, #tpu.memory_space<hbm>> -> memref<4096xf32, #tpu.memory_space<hbm>>
      %dma_start3A_53 = arith.constant 0 : i32
      %dma_start3A_54 = tpu.memref_slice %arg5[%select_n3A, %dma_start3A_53] : memref<8x4096xf32, #tpu.memory_space<hbm>> -> memref<1x4096xf32, #tpu.memory_space<hbm>>
      %dma_start3A_55 = tpu.memref_squeeze %dma_start3A_54 : memref<1x4096xf32, #tpu.memory_space<hbm>> -> memref<4096xf32, #tpu.memory_space<hbm>>
      tpu.enqueue_dma source(%dma_start3A_55 : memref<4096xf32, #tpu.memory_space<hbm>>) target(%arg16 : memref<4096xf32, #tpu.memory_space<vmem>>) target_semaphore(%run_scoped3A_50 : memref<!tpu.dma_semaphore, #tpu.memory_space<semaphore_mem>>)
      %dma_wait3A = arith.constant 0 : i32
      %dma_wait3A_56 = tpu.memref_slice %arg5[%select_n3A, %dma_wait3A] : memref<8x4096xf32, #tpu.memory_space<hbm>> -> memref<1x4096xf32, #tpu.memory_space<hbm>>
      %dma_wait3A_57 = tpu.memref_squeeze %dma_wait3A_56 : memref<1x4096xf32, #tpu.memory_space<hbm>> -> memref<4096xf32, #tpu.memory_space<hbm>>
      %dma_wait3A_58 = arith.constant 0 : i32
      %dma_wait3A_59 = tpu.memref_slice %arg5[%select_n3A, %dma_wait3A_58] : memref<8x4096xf32, #tpu.memory_space<hbm>> -> memref<1x4096xf32, #tpu.memory_space<hbm>>
      %dma_wait3A_60 = tpu.memref_squeeze %dma_wait3A_59 : memref<1x4096xf32, #tpu.memory_space<hbm>> -> memref<4096xf32, #tpu.memory_space<hbm>>
      tpu.wait_dma2 semaphore(%run_scoped3A_50 : memref<!tpu.dma_semaphore, #tpu.memory_space<semaphore_mem>>) src(%dma_wait3A_60 : memref<4096xf32, #tpu.memory_space<hbm>>) dst(%arg16 : memref<4096xf32, #tpu.memory_space<vmem>>)
      tpu.yield
    }) : () -> ()
    "tpu.region"() ({
      %run_scoped3A_50 = tpu.sem_alloc : memref<!tpu.dma_semaphore, #tpu.memory_space<semaphore_mem>>
      %dma_start3A = arith.constant 0 : i32
      %dma_start3A_51 = tpu.memref_slice %arg6[%select_n3A, %dma_start3A] : memref<8x4096xf32, #tpu.memory_space<hbm>> -> memref<1x4096xf32, #tpu.memory_space<hbm>>
      %dma_start3A_52 = tpu.memref_squeeze %dma_start3A_51 : memref<1x4096xf32, #tpu.memory_space<hbm>> -> memref<4096xf32, #tpu.memory_space<hbm>>
      %dma_start3A_53 = arith.constant 0 : i32
      %dma_start3A_54 = tpu.memref_slice %arg6[%select_n3A, %dma_start3A_53] : memref<8x4096xf32, #tpu.memory_space<hbm>> -> memref<1x4096xf32, #tpu.memory_space<hbm>>
      %dma_start3A_55 = tpu.memref_squeeze %dma_start3A_54 : memref<1x4096xf32, #tpu.memory_space<hbm>> -> memref<4096xf32, #tpu.memory_space<hbm>>
      tpu.enqueue_dma source(%dma_start3A_55 : memref<4096xf32, #tpu.memory_space<hbm>>) target(%arg17 : memref<4096xf32, #tpu.memory_space<vmem>>) target_semaphore(%run_scoped3A_50 : memref<!tpu.dma_semaphore, #tpu.memory_space<semaphore_mem>>)
      %dma_wait3A = arith.constant 0 : i32
      %dma_wait3A_56 = tpu.memref_slice %arg6[%select_n3A, %dma_wait3A] : memref<8x4096xf32, #tpu.memory_space<hbm>> -> memref<1x4096xf32, #tpu.memory_space<hbm>>
      %dma_wait3A_57 = tpu.memref_squeeze %dma_wait3A_56 : memref<1x4096xf32, #tpu.memory_space<hbm>> -> memref<4096xf32, #tpu.memory_space<hbm>>
      %dma_wait3A_58 = arith.constant 0 : i32
      %dma_wait3A_59 = tpu.memref_slice %arg6[%select_n3A, %dma_wait3A_58] : memref<8x4096xf32, #tpu.memory_space<hbm>> -> memref<1x4096xf32, #tpu.memory_space<hbm>>
      %dma_wait3A_60 = tpu.memref_squeeze %dma_wait3A_59 : memref<1x4096xf32, #tpu.memory_space<hbm>> -> memref<4096xf32, #tpu.memory_space<hbm>>
      tpu.wait_dma2 semaphore(%run_scoped3A_50 : memref<!tpu.dma_semaphore, #tpu.memory_space<semaphore_mem>>) src(%dma_wait3A_60 : memref<4096xf32, #tpu.memory_space<hbm>>) dst(%arg17 : memref<4096xf32, #tpu.memory_space<vmem>>)
      tpu.yield
    }) : () -> ()
    "tpu.region"() ({
      %run_scoped3A_50 = tpu.sem_alloc : memref<!tpu.dma_semaphore, #tpu.memory_space<semaphore_mem>>
      %dma_start3A = arith.constant 0 : i32
      %dma_start3A_51 = tpu.memref_slice %arg7[%select_n3A, %dma_start3A] : memref<8x4096xf32, #tpu.memory_space<hbm>> -> memref<1x4096xf32, #tpu.memory_space<hbm>>
      %dma_start3A_52 = tpu.memref_squeeze %dma_start3A_51 : memref<1x4096xf32, #tpu.memory_space<hbm>> -> memref<4096xf32, #tpu.memory_space<hbm>>
      %dma_start3A_53 = arith.constant 0 : i32
      %dma_start3A_54 = tpu.memref_slice %arg7[%select_n3A, %dma_start3A_53] : memref<8x4096xf32, #tpu.memory_space<hbm>> -> memref<1x4096xf32, #tpu.memory_space<hbm>>
      %dma_start3A_55 = tpu.memref_squeeze %dma_start3A_54 : memref<1x4096xf32, #tpu.memory_space<hbm>> -> memref<4096xf32, #tpu.memory_space<hbm>>
      tpu.enqueue_dma source(%dma_start3A_55 : memref<4096xf32, #tpu.memory_space<hbm>>) target(%arg18 : memref<4096xf32, #tpu.memory_space<vmem>>) target_semaphore(%run_scoped3A_50 : memref<!tpu.dma_semaphore, #tpu.memory_space<semaphore_mem>>)
      %dma_wait3A = arith.constant 0 : i32
      %dma_wait3A_56 = tpu.memref_slice %arg7[%select_n3A, %dma_wait3A] : memref<8x4096xf32, #tpu.memory_space<hbm>> -> memref<1x4096xf32, #tpu.memory_space<hbm>>
      %dma_wait3A_57 = tpu.memref_squeeze %dma_wait3A_56 : memref<1x4096xf32, #tpu.memory_space<hbm>> -> memref<4096xf32, #tpu.memory_space<hbm>>
      %dma_wait3A_58 = arith.constant 0 : i32
      %dma_wait3A_59 = tpu.memref_slice %arg7[%select_n3A, %dma_wait3A_58] : memref<8x4096xf32, #tpu.memory_space<hbm>> -> memref<1x4096xf32, #tpu.memory_space<hbm>>
      %dma_wait3A_60 = tpu.memref_squeeze %dma_wait3A_59 : memref<1x4096xf32, #tpu.memory_space<hbm>> -> memref<4096xf32, #tpu.memory_space<hbm>>
      tpu.wait_dma2 semaphore(%run_scoped3A_50 : memref<!tpu.dma_semaphore, #tpu.memory_space<semaphore_mem>>) src(%dma_wait3A_60 : memref<4096xf32, #tpu.memory_space<hbm>>) dst(%arg18 : memref<4096xf32, #tpu.memory_space<vmem>>)
      tpu.yield
    }) : () -> ()
    "tpu.region"() ({
      %run_scoped3A_50 = tpu.sem_alloc : memref<!tpu.dma_semaphore, #tpu.memory_space<semaphore_mem>>
      %dma_start3A = arith.constant 0 : i32
      %dma_start3A_51 = tpu.memref_slice %arg8[%select_n3A, %dma_start3A] : memref<8x4096xf32, #tpu.memory_space<hbm>> -> memref<1x4096xf32, #tpu.memory_space<hbm>>
      %dma_start3A_52 = tpu.memref_squeeze %dma_start3A_51 : memref<1x4096xf32, #tpu.memory_space<hbm>> -> memref<4096xf32, #tpu.memory_space<hbm>>
      %dma_start3A_53 = arith.constant 0 : i32
      %dma_start3A_54 = tpu.memref_slice %arg8[%select_n3A, %dma_start3A_53] : memref<8x4096xf32, #tpu.memory_space<hbm>> -> memref<1x4096xf32, #tpu.memory_space<hbm>>
      %dma_start3A_55 = tpu.memref_squeeze %dma_start3A_54 : memref<1x4096xf32, #tpu.memory_space<hbm>> -> memref<4096xf32, #tpu.memory_space<hbm>>
      tpu.enqueue_dma source(%dma_start3A_55 : memref<4096xf32, #tpu.memory_space<hbm>>) target(%arg19 : memref<4096xf32, #tpu.memory_space<vmem>>) target_semaphore(%run_scoped3A_50 : memref<!tpu.dma_semaphore, #tpu.memory_space<semaphore_mem>>)
      %dma_wait3A = arith.constant 0 : i32
      %dma_wait3A_56 = tpu.memref_slice %arg8[%select_n3A, %dma_wait3A] : memref<8x4096xf32, #tpu.memory_space<hbm>> -> memref<1x4096xf32, #tpu.memory_space<hbm>>
      %dma_wait3A_57 = tpu.memref_squeeze %dma_wait3A_56 : memref<1x4096xf32, #tpu.memory_space<hbm>> -> memref<4096xf32, #tpu.memory_space<hbm>>
      %dma_wait3A_58 = arith.constant 0 : i32
      %dma_wait3A_59 = tpu.memref_slice %arg8[%select_n3A, %dma_wait3A_58] : memref<8x4096xf32, #tpu.memory_space<hbm>> -> memref<1x4096xf32, #tpu.memory_space<hbm>>
      %dma_wait3A_60 = tpu.memref_squeeze %dma_wait3A_59 : memref<1x4096xf32, #tpu.memory_space<hbm>> -> memref<4096xf32, #tpu.memory_space<hbm>>
      tpu.wait_dma2 semaphore(%run_scoped3A_50 : memref<!tpu.dma_semaphore, #tpu.memory_space<semaphore_mem>>) src(%dma_wait3A_60 : memref<4096xf32, #tpu.memory_space<hbm>>) dst(%arg19 : memref<4096xf32, #tpu.memory_space<vmem>>)
      tpu.yield
    }) : () -> ()
    "tpu.region"() ({
      %run_scoped3A_50 = tpu.sem_alloc : memref<!tpu.dma_semaphore, #tpu.memory_space<semaphore_mem>>
      %dma_start3A = arith.constant 0 : i32
      %dma_start3A_51 = tpu.memref_slice %arg20[%dma_start3A] : memref<272xf32, #tpu.memory_space<vmem>> -> memref<256xf32, #tpu.memory_space<vmem>>
      %dma_start3A_52 = tpu.memref_slice %arg9[%select_n3A, %mul3A_32] : memref<8x1024xf32, #tpu.memory_space<hbm>> -> memref<1x256xf32, #tpu.memory_space<hbm>>
      %dma_start3A_53 = tpu.memref_squeeze %dma_start3A_52 : memref<1x256xf32, #tpu.memory_space<hbm>> -> memref<256xf32, #tpu.memory_space<hbm>>
      %dma_start3A_54 = arith.constant 0 : i32
      %dma_start3A_55 = tpu.memref_slice %arg20[%dma_start3A_54] : memref<272xf32, #tpu.memory_space<vmem>> -> memref<256xf32, #tpu.memory_space<vmem>>
      %dma_start3A_56 = tpu.memref_slice %arg9[%select_n3A, %mul3A_32] : memref<8x1024xf32, #tpu.memory_space<hbm>> -> memref<1x256xf32, #tpu.memory_space<hbm>>
      %dma_start3A_57 = tpu.memref_squeeze %dma_start3A_56 : memref<1x256xf32, #tpu.memory_space<hbm>> -> memref<256xf32, #tpu.memory_space<hbm>>
      tpu.enqueue_dma source(%dma_start3A_57 : memref<256xf32, #tpu.memory_space<hbm>>) target(%dma_start3A_55 : memref<256xf32, #tpu.memory_space<vmem>>) target_semaphore(%run_scoped3A_50 : memref<!tpu.dma_semaphore, #tpu.memory_space<semaphore_mem>>)
      %dma_wait3A = arith.constant 0 : i32
      %dma_wait3A_58 = tpu.memref_slice %arg20[%dma_wait3A] : memref<272xf32, #tpu.memory_space<vmem>> -> memref<256xf32, #tpu.memory_space<vmem>>
      %dma_wait3A_59 = tpu.memref_slice %arg9[%select_n3A, %mul3A_32] : memref<8x1024xf32, #tpu.memory_space<hbm>> -> memref<1x256xf32, #tpu.memory_space<hbm>>
      %dma_wait3A_60 = tpu.memref_squeeze %dma_wait3A_59 : memref<1x256xf32, #tpu.memory_space<hbm>> -> memref<256xf32, #tpu.memory_space<hbm>>
      %dma_wait3A_61 = arith.constant 0 : i32
      %dma_wait3A_62 = tpu.memref_slice %arg20[%dma_wait3A_61] : memref<272xf32, #tpu.memory_space<vmem>> -> memref<256xf32, #tpu.memory_space<vmem>>
      %dma_wait3A_63 = tpu.memref_slice %arg9[%select_n3A, %mul3A_32] : memref<8x1024xf32, #tpu.memory_space<hbm>> -> memref<1x256xf32, #tpu.memory_space<hbm>>
      %dma_wait3A_64 = tpu.memref_squeeze %dma_wait3A_63 : memref<1x256xf32, #tpu.memory_space<hbm>> -> memref<256xf32, #tpu.memory_space<hbm>>
      tpu.wait_dma2 semaphore(%run_scoped3A_50 : memref<!tpu.dma_semaphore, #tpu.memory_space<semaphore_mem>>) src(%dma_wait3A_64 : memref<256xf32, #tpu.memory_space<hbm>>) dst(%dma_wait3A_62 : memref<256xf32, #tpu.memory_space<vmem>>)
      tpu.yield
    }) : () -> ()
    "tpu.region"() ({
      %run_scoped3A_50 = tpu.sem_alloc : memref<!tpu.dma_semaphore, #tpu.memory_space<semaphore_mem>>
      %dma_start3A = arith.constant 0 : i32
      %dma_start3A_51 = tpu.memref_slice %arg21[%dma_start3A] : memref<272xf32, #tpu.memory_space<vmem>> -> memref<256xf32, #tpu.memory_space<vmem>>
      %dma_start3A_52 = tpu.memref_slice %arg10[%select_n3A, %mul3A_32] : memref<8x1024xf32, #tpu.memory_space<hbm>> -> memref<1x256xf32, #tpu.memory_space<hbm>>
      %dma_start3A_53 = tpu.memref_squeeze %dma_start3A_52 : memref<1x256xf32, #tpu.memory_space<hbm>> -> memref<256xf32, #tpu.memory_space<hbm>>
      %dma_start3A_54 = arith.constant 0 : i32
      %dma_start3A_55 = tpu.memref_slice %arg21[%dma_start3A_54] : memref<272xf32, #tpu.memory_space<vmem>> -> memref<256xf32, #tpu.memory_space<vmem>>
      %dma_start3A_56 = tpu.memref_slice %arg10[%select_n3A, %mul3A_32] : memref<8x1024xf32, #tpu.memory_space<hbm>> -> memref<1x256xf32, #tpu.memory_space<hbm>>
      %dma_start3A_57 = tpu.memref_squeeze %dma_start3A_56 : memref<1x256xf32, #tpu.memory_space<hbm>> -> memref<256xf32, #tpu.memory_space<hbm>>
      tpu.enqueue_dma source(%dma_start3A_57 : memref<256xf32, #tpu.memory_space<hbm>>) target(%dma_start3A_55 : memref<256xf32, #tpu.memory_space<vmem>>) target_semaphore(%run_scoped3A_50 : memref<!tpu.dma_semaphore, #tpu.memory_space<semaphore_mem>>)
      %dma_wait3A = arith.constant 0 : i32
      %dma_wait3A_58 = tpu.memref_slice %arg21[%dma_wait3A] : memref<272xf32, #tpu.memory_space<vmem>> -> memref<256xf32, #tpu.memory_space<vmem>>
      %dma_wait3A_59 = tpu.memref_slice %arg10[%select_n3A, %mul3A_32] : memref<8x1024xf32, #tpu.memory_space<hbm>> -> memref<1x256xf32, #tpu.memory_space<hbm>>
      %dma_wait3A_60 = tpu.memref_squeeze %dma_wait3A_59 : memref<1x256xf32, #tpu.memory_space<hbm>> -> memref<256xf32, #tpu.memory_space<hbm>>
      %dma_wait3A_61 = arith.constant 0 : i32
      %dma_wait3A_62 = tpu.memref_slice %arg21[%dma_wait3A_61] : memref<272xf32, #tpu.memory_space<vmem>> -> memref<256xf32, #tpu.memory_space<vmem>>
      %dma_wait3A_63 = tpu.memref_slice %arg10[%select_n3A, %mul3A_32] : memref<8x1024xf32, #tpu.memory_space<hbm>> -> memref<1x256xf32, #tpu.memory_space<hbm>>
      %dma_wait3A_64 = tpu.memref_squeeze %dma_wait3A_63 : memref<1x256xf32, #tpu.memory_space<hbm>> -> memref<256xf32, #tpu.memory_space<hbm>>
      tpu.wait_dma2 semaphore(%run_scoped3A_50 : memref<!tpu.dma_semaphore, #tpu.memory_space<semaphore_mem>>) src(%dma_wait3A_64 : memref<256xf32, #tpu.memory_space<hbm>>) dst(%dma_wait3A_62 : memref<256xf32, #tpu.memory_space<vmem>>)
      tpu.yield
    }) : () -> ()
    "tpu.region"() ({
      %run_scoped3A_50 = tpu.sem_alloc : memref<!tpu.dma_semaphore, #tpu.memory_space<semaphore_mem>>
      %dma_start3A = arith.constant 0 : i32
      %dma_start3A_51 = tpu.memref_slice %arg22[%dma_start3A] : memref<272xf32, #tpu.memory_space<vmem>> -> memref<256xf32, #tpu.memory_space<vmem>>
      %dma_start3A_52 = tpu.memref_slice %arg11[%select_n3A, %mul3A_32] : memref<8x1024xf32, #tpu.memory_space<hbm>> -> memref<1x256xf32, #tpu.memory_space<hbm>>
      %dma_start3A_53 = tpu.memref_squeeze %dma_start3A_52 : memref<1x256xf32, #tpu.memory_space<hbm>> -> memref<256xf32, #tpu.memory_space<hbm>>
      %dma_start3A_54 = arith.constant 0 : i32
      %dma_start3A_55 = tpu.memref_slice %arg22[%dma_start3A_54] : memref<272xf32, #tpu.memory_space<vmem>> -> memref<256xf32, #tpu.memory_space<vmem>>
      %dma_start3A_56 = tpu.memref_slice %arg11[%select_n3A, %mul3A_32] : memref<8x1024xf32, #tpu.memory_space<hbm>> -> memref<1x256xf32, #tpu.memory_space<hbm>>
      %dma_start3A_57 = tpu.memref_squeeze %dma_start3A_56 : memref<1x256xf32, #tpu.memory_space<hbm>> -> memref<256xf32, #tpu.memory_space<hbm>>
      tpu.enqueue_dma source(%dma_start3A_57 : memref<256xf32, #tpu.memory_space<hbm>>) target(%dma_start3A_55 : memref<256xf32, #tpu.memory_space<vmem>>) target_semaphore(%run_scoped3A_50 : memref<!tpu.dma_semaphore, #tpu.memory_space<semaphore_mem>>)
      %dma_wait3A = arith.constant 0 : i32
      %dma_wait3A_58 = tpu.memref_slice %arg22[%dma_wait3A] : memref<272xf32, #tpu.memory_space<vmem>> -> memref<256xf32, #tpu.memory_space<vmem>>
      %dma_wait3A_59 = tpu.memref_slice %arg11[%select_n3A, %mul3A_32] : memref<8x1024xf32, #tpu.memory_space<hbm>> -> memref<1x256xf32, #tpu.memory_space<hbm>>
      %dma_wait3A_60 = tpu.memref_squeeze %dma_wait3A_59 : memref<1x256xf32, #tpu.memory_space<hbm>> -> memref<256xf32, #tpu.memory_space<hbm>>
      %dma_wait3A_61 = arith.constant 0 : i32
      %dma_wait3A_62 = tpu.memref_slice %arg22[%dma_wait3A_61] : memref<272xf32, #tpu.memory_space<vmem>> -> memref<256xf32, #tpu.memory_space<vmem>>
      %dma_wait3A_63 = tpu.memref_slice %arg11[%select_n3A, %mul3A_32] : memref<8x1024xf32, #tpu.memory_space<hbm>> -> memref<1x256xf32, #tpu.memory_space<hbm>>
      %dma_wait3A_64 = tpu.memref_squeeze %dma_wait3A_63 : memref<1x256xf32, #tpu.memory_space<hbm>> -> memref<256xf32, #tpu.memory_space<hbm>>
      tpu.wait_dma2 semaphore(%run_scoped3A_50 : memref<!tpu.dma_semaphore, #tpu.memory_space<semaphore_mem>>) src(%dma_wait3A_64 : memref<256xf32, #tpu.memory_space<hbm>>) dst(%dma_wait3A_62 : memref<256xf32, #tpu.memory_space<vmem>>)
      tpu.yield
    }) : () -> ()
    %iota3A = tpu.iota {dimensions = array<i32: 0>} : vector<16xi32>
    %scan3A = arith.constant 0 : i32
    %scan3A_33 = arith.constant 0 : i32
    %scan3A_34 = arith.constant 256 : i32
    %scan3A_35 = arith.addi %scan3A_33, %scan3A_34 : i32
    %scan3A_36 = arith.constant 1 : i32
    %scan3A_37 = scf.for %scan3A_50 = %scan3A_33 to %scan3A_35 step %scan3A_36 iter_args(%scan3A_51 = %scan3A) -> (i32)  : i32 {
      %get3A = arith.index_cast %scan3A_50 : i32 to index
      %get3A_52 = tpu.vector_load %arg20[%get3A] {strides = array<i32>} : memref<272xf32, #tpu.memory_space<vmem>>, vector<16xf32>,
      %slice3A = vector.extract_strided_slice %get3A_52 {offsets = [0], sizes = [1], strides = [1]} : vector<16xf32> to vector<1xf32>
      %squeeze3A = vector.extract %slice3A[0] : f32 from vector<1xf32>
      %get3A_53 = arith.index_cast %scan3A_50 : i32 to index
      %get3A_54 = tpu.vector_load %arg21[%get3A_53] {strides = array<i32>} : memref<272xf32, #tpu.memory_space<vmem>>, vector<16xf32>,
      %slice3A_55 = vector.extract_strided_slice %get3A_54 {offsets = [0], sizes = [1], strides = [1]} : vector<16xf32> to vector<1xf32>
      %squeeze3A_56 = vector.extract %slice3A_55[0] : f32 from vector<1xf32>
      %get3A_57 = arith.index_cast %scan3A_50 : i32 to index
      %get3A_58 = tpu.vector_load %arg22[%get3A_57] {strides = array<i32>} : memref<272xf32, #tpu.memory_space<vmem>>, vector<16xf32>,
      %slice3A_59 = vector.extract_strided_slice %get3A_58 {offsets = [0], sizes = [1], strides = [1]} : vector<16xf32> to vector<1xf32>
      %squeeze3A_60 = vector.extract %slice3A_59[0] : f32 from vector<1xf32>
      %mul3A_61 = arith.constant 32 : i32
      %mul3A_62 = arith.muli %scan3A_50, %mul3A_61 : i32
      %while3A = arith.constant 0 : i32
      %while3A_63 = arith.constant 0 : i32
      %while3A_64:2 = scf.while (%while3A_195 = %while3A, %while3A_196 = %while3A_63) : (i32, i32) -> (i32, i32) {
        %lt3A_197 = arith.constant 32 : i32
        %lt3A_198 = arith.cmpi slt, %while3A_195, %lt3A_197 : i32
        %lt3A_199 = arith.constant 256 : i32
        %lt3A_200 = arith.cmpi slt, %while3A_196, %lt3A_199 : i32
        %and3A_201 = arith.andi %lt3A_198, %lt3A_200 : i1
        scf.condition(%and3A_201) %while3A_195, %while3A_196 : i32, i32
      } do {
      ^bb0(%while3A_195: i32, %while3A_196: i32):
        %mul3A_197 = arith.constant 16 : i32
        %mul3A_198 = arith.muli %while3A_196, %mul3A_197 : i32
        %get3A_199 = arith.index_cast %mul3A_198 : i32 to index
        %get3A_200 = tpu.vector_load %arg13[%get3A_199] {strides = array<i32>} : memref<4096xf32, #tpu.memory_space<vmem>>, vector<16xf32>,
        %get3A_201 = arith.index_cast %mul3A_198 : i32 to index
        %get3A_202 = tpu.vector_load %arg14[%get3A_201] {strides = array<i32>} : memref<4096xf32, #tpu.memory_space<vmem>>, vector<16xf32>,
        %get3A_203 = arith.index_cast %mul3A_198 : i32 to index
        %get3A_204 = tpu.vector_load %arg15[%get3A_203] {strides = array<i32>} : memref<4096xf32, #tpu.memory_space<vmem>>, vector<16xf32>,
        %mul3A_205 = vector.broadcast %squeeze3A : f32 to vector<16xf32>
        %mul3A_206 = arith.mulf %mul3A_205, %get3A_200 : vector<16xf32>
        %mul3A_207 = vector.broadcast %squeeze3A_56 : f32 to vector<16xf32>
        %mul3A_208 = arith.mulf %mul3A_207, %get3A_202 : vector<16xf32>
        %add3A_209 = arith.addf %mul3A_206, %mul3A_208 : vector<16xf32>
        %mul3A_210 = arith.constant -2.000000e+00 : f32
        %mul3A_211 = vector.broadcast %mul3A_210 : f32 to vector<16xf32>
        %mul3A_212 = arith.mulf %mul3A_211, %add3A_209 : vector<16xf32>
        %add3A_213 = vector.broadcast %squeeze3A_60 : f32 to vector<16xf32>
        %add3A_214 = arith.addf %mul3A_212, %add3A_213 : vector<16xf32>
        %add3A_215 = arith.addf %add3A_214, %get3A_204 : vector<16xf32>
        %le3A = arith.constant 9.000000e-02 : f32
        %le3A_216 = vector.broadcast %le3A : f32 to vector<16xf32>
        %le3A_217 = arith.cmpf ole, %add3A_215, %le3A_216 : vector<16xf32>
        %convert_element_type3A = arith.extui %le3A_217 : vector<16xi1> to vector<16xi32>
        %reduce_sum3A_218 = arith.constant true
        %reduce_sum3A_219 = vector.broadcast %reduce_sum3A_218 : i1 to vector<16xi1>
        %reduce_sum3A_220 = tpu.scan <sum>, %convert_element_type3A masked %reduce_sum3A_219 : vector<16xi32>, vector<16xi1> -> vector<16xi32>
        %reduce_sum3A_221 = vector.extract %reduce_sum3A_220[15] : i32 from vector<16xi32>
        %add3A_222 = arith.addi %mul3A_62, %while3A_195 : i32
        %get3A_223 = arith.index_cast %mul3A_198 : i32 to index
        %get3A_224 = tpu.vector_load %arg18[%get3A_223] {strides = array<i32>} : memref<4096xf32, #tpu.memory_space<vmem>>, vector<16xf32>,
        %swap3A_225 = arith.index_cast %add3A_222 : i32 to index
        %swap3A_226 = tpu.vector_load %arg23[%swap3A_225] masked %le3A_217 {strides = array<i32>} : memref<8208xf32, #tpu.memory_space<vmem>>, vector<16xf32>, vector<16xi1>
        tpu.vector_store %arg23[%swap3A_225], %get3A_224 masked %le3A_217 {strides = array<i32>} : memref<8208xf32, #tpu.memory_space<vmem>>, vector<16xf32>, vector<16xi1>
        %get3A_227 = arith.index_cast %mul3A_198 : i32 to index
        %get3A_228 = tpu.vector_load %arg19[%get3A_227] {strides = array<i32>} : memref<4096xf32, #tpu.memory_space<vmem>>, vector<16xf32>,
        %swap3A_229 = arith.index_cast %add3A_222 : i32 to index
        %swap3A_230 = tpu.vector_load %arg24[%swap3A_229] masked %le3A_217 {strides = array<i32>} : memref<8208xf32, #tpu.memory_space<vmem>>, vector<16xf32>, vector<16xi1>
        tpu.vector_store %arg24[%swap3A_229], %get3A_228 masked %le3A_217 {strides = array<i32>} : memref<8208xf32, #tpu.memory_space<vmem>>, vector<16xf32>, vector<16xi1>
        %get3A_231 = arith.index_cast %mul3A_198 : i32 to index
        %get3A_232 = tpu.vector_load %arg16[%get3A_231] {strides = array<i32>} : memref<4096xf32, #tpu.memory_space<vmem>>, vector<16xf32>,
        %swap3A_233 = arith.index_cast %add3A_222 : i32 to index
        %swap3A_234 = tpu.vector_load %arg25[%swap3A_233] masked %le3A_217 {strides = array<i32>} : memref<8208xf32, #tpu.memory_space<vmem>>, vector<16xf32>, vector<16xi1>
        tpu.vector_store %arg25[%swap3A_233], %get3A_232 masked %le3A_217 {strides = array<i32>} : memref<8208xf32, #tpu.memory_space<vmem>>, vector<16xf32>, vector<16xi1>
        %get3A_235 = arith.index_cast %mul3A_198 : i32 to index
        %get3A_236 = tpu.vector_load %arg17[%get3A_235] {strides = array<i32>} : memref<4096xf32, #tpu.memory_space<vmem>>, vector<16xf32>,
        %swap3A_237 = arith.index_cast %add3A_222 : i32 to index
        %swap3A_238 = tpu.vector_load %arg26[%swap3A_237] masked %le3A_217 {strides = array<i32>} : memref<8208xf32, #tpu.memory_space<vmem>>, vector<16xf32>, vector<16xi1>
        tpu.vector_store %arg26[%swap3A_237], %get3A_236 masked %le3A_217 {strides = array<i32>} : memref<8208xf32, #tpu.memory_space<vmem>>, vector<16xf32>, vector<16xi1>
        %add3A_239 = arith.addi %while3A_195, %reduce_sum3A_221 : i32
        %add3A_240 = arith.constant 1 : i32
        %add3A_241 = arith.addi %while3A_196, %add3A_240 : i32
        scf.yield %add3A_239, %add3A_241 : i32, i32
      }
      %min3A = arith.constant 32 : i32
      %min3A_65 = arith.minsi %while3A_64#0, %min3A : i32
      %get3A_66 = arith.index_cast %mul3A_62 : i32 to index
      %get3A_67 = tpu.vector_load %arg23[%get3A_66] {strides = array<i32>} : memref<8208xf32, #tpu.memory_space<vmem>>, vector<16xf32>,
      %eq3A_68 = arith.constant 0 : i32
      %eq3A_69 = vector.broadcast %eq3A_68 : i32 to vector<16xi32>
      %eq3A_70 = arith.cmpi eq, %iota3A, %eq3A_69 : vector<16xi32>
      %broadcast_in_dim3A = arith.constant 0.000000e+00 : f32
      %broadcast_in_dim3A_71 = vector.broadcast %broadcast_in_dim3A : f32 to vector<16xf32>
      %select_n3A_72 = arith.select %eq3A_70, %get3A_67, %broadcast_in_dim3A_71 : vector<16xi1>, vector<16xf32>
      %reduce_sum3A = arith.constant true
      %reduce_sum3A_73 = vector.broadcast %reduce_sum3A : i1 to vector<16xi1>
      %reduce_sum3A_74 = tpu.scan <sum>, %select_n3A_72 masked %reduce_sum3A_73 : vector<16xf32>, vector<16xi1> -> vector<16xf32>
      %reduce_sum3A_75 = vector.extract %reduce_sum3A_74[15] : f32 from vector<16xf32>
      %ge3A = vector.broadcast %min3A_65 : i32 to vector<16xi32>
      %ge3A_76 = arith.cmpi sge, %iota3A, %ge3A : vector<16xi32>
      %broadcast_in_dim3A_77 = vector.broadcast %reduce_sum3A_75 : f32 to vector<16xf32>
      %select_n3A_78 = arith.select %ge3A_76, %broadcast_in_dim3A_77, %get3A_67 : vector<16xi1>, vector<16xf32>
      %swap3A = arith.index_cast %mul3A_62 : i32 to index
      %swap3A_79 = tpu.vector_load %arg23[%swap3A] {strides = array<i32>} : memref<8208xf32, #tpu.memory_space<vmem>>, vector<16xf32>,
      tpu.vector_store %arg23[%swap3A], %select_n3A_78 {strides = array<i32>} : memref<8208xf32, #tpu.memory_space<vmem>>, vector<16xf32>,
      %add3A_80 = arith.constant 16 : i32
      %add3A_81 = arith.addi %mul3A_62, %add3A_80 : i32
      %get3A_82 = arith.index_cast %add3A_81 : i32 to index
      %get3A_83 = tpu.vector_load %arg23[%get3A_82] {strides = array<i32>} : memref<8208xf32, #tpu.memory_space<vmem>>, vector<16xf32>,
      %add3A_84 = arith.constant 16 : i32
      %add3A_85 = vector.broadcast %add3A_84 : i32 to vector<16xi32>
      %add3A_86 = arith.addi %iota3A, %add3A_85 : vector<16xi32>
      %ge3A_87 = vector.broadcast %min3A_65 : i32 to vector<16xi32>
      %ge3A_88 = arith.cmpi sge, %add3A_86, %ge3A_87 : vector<16xi32>
      %broadcast_in_dim3A_89 = vector.broadcast %reduce_sum3A_75 : f32 to vector<16xf32>
      %select_n3A_90 = arith.select %ge3A_88, %broadcast_in_dim3A_89, %get3A_83 : vector<16xi1>, vector<16xf32>
      %add3A_91 = arith.constant 16 : i32
      %add3A_92 = arith.addi %mul3A_62, %add3A_91 : i32
      %swap3A_93 = arith.index_cast %add3A_92 : i32 to index
      %swap3A_94 = tpu.vector_load %arg23[%swap3A_93] {strides = array<i32>} : memref<8208xf32, #tpu.memory_space<vmem>>, vector<16xf32>,
      tpu.vector_store %arg23[%swap3A_93], %select_n3A_90 {strides = array<i32>} : memref<8208xf32, #tpu.memory_space<vmem>>, vector<16xf32>,
      %get3A_95 = arith.index_cast %mul3A_62 : i32 to index
      %get3A_96 = tpu.vector_load %arg24[%get3A_95] {strides = array<i32>} : memref<8208xf32, #tpu.memory_space<vmem>>, vector<16xf32>,
      %eq3A_97 = arith.constant 0 : i32
      %eq3A_98 = vector.broadcast %eq3A_97 : i32 to vector<16xi32>
      %eq3A_99 = arith.cmpi eq, %iota3A, %eq3A_98 : vector<16xi32>
      %broadcast_in_dim3A_100 = arith.constant 0.000000e+00 : f32
      %broadcast_in_dim3A_101 = vector.broadcast %broadcast_in_dim3A_100 : f32 to vector<16xf32>
      %select_n3A_102 = arith.select %eq3A_99, %get3A_96, %broadcast_in_dim3A_101 : vector<16xi1>, vector<16xf32>
      %reduce_sum3A_103 = arith.constant true
      %reduce_sum3A_104 = vector.broadcast %reduce_sum3A_103 : i1 to vector<16xi1>
      %reduce_sum3A_105 = tpu.scan <sum>, %select_n3A_102 masked %reduce_sum3A_104 : vector<16xf32>, vector<16xi1> -> vector<16xf32>
      %reduce_sum3A_106 = vector.extract %reduce_sum3A_105[15] : f32 from vector<16xf32>
      %ge3A_107 = vector.broadcast %min3A_65 : i32 to vector<16xi32>
      %ge3A_108 = arith.cmpi sge, %iota3A, %ge3A_107 : vector<16xi32>
      %broadcast_in_dim3A_109 = vector.broadcast %reduce_sum3A_106 : f32 to vector<16xf32>
      %select_n3A_110 = arith.select %ge3A_108, %broadcast_in_dim3A_109, %get3A_96 : vector<16xi1>, vector<16xf32>
      %swap3A_111 = arith.index_cast %mul3A_62 : i32 to index
      %swap3A_112 = tpu.vector_load %arg24[%swap3A_111] {strides = array<i32>} : memref<8208xf32, #tpu.memory_space<vmem>>, vector<16xf32>,
      tpu.vector_store %arg24[%swap3A_111], %select_n3A_110 {strides = array<i32>} : memref<8208xf32, #tpu.memory_space<vmem>>, vector<16xf32>,
      %add3A_113 = arith.constant 16 : i32
      %add3A_114 = arith.addi %mul3A_62, %add3A_113 : i32
      %get3A_115 = arith.index_cast %add3A_114 : i32 to index
      %get3A_116 = tpu.vector_load %arg24[%get3A_115] {strides = array<i32>} : memref<8208xf32, #tpu.memory_space<vmem>>, vector<16xf32>,
      %add3A_117 = arith.constant 16 : i32
      %add3A_118 = vector.broadcast %add3A_117 : i32 to vector<16xi32>
      %add3A_119 = arith.addi %iota3A, %add3A_118 : vector<16xi32>
      %ge3A_120 = vector.broadcast %min3A_65 : i32 to vector<16xi32>
      %ge3A_121 = arith.cmpi sge, %add3A_119, %ge3A_120 : vector<16xi32>
      %broadcast_in_dim3A_122 = vector.broadcast %reduce_sum3A_106 : f32 to vector<16xf32>
      %select_n3A_123 = arith.select %ge3A_121, %broadcast_in_dim3A_122, %get3A_116 : vector<16xi1>, vector<16xf32>
      %add3A_124 = arith.constant 16 : i32
      %add3A_125 = arith.addi %mul3A_62, %add3A_124 : i32
      %swap3A_126 = arith.index_cast %add3A_125 : i32 to index
      %swap3A_127 = tpu.vector_load %arg24[%swap3A_126] {strides = array<i32>} : memref<8208xf32, #tpu.memory_space<vmem>>, vector<16xf32>,
      tpu.vector_store %arg24[%swap3A_126], %select_n3A_123 {strides = array<i32>} : memref<8208xf32, #tpu.memory_space<vmem>>, vector<16xf32>,
      %get3A_128 = arith.index_cast %mul3A_62 : i32 to index
      %get3A_129 = tpu.vector_load %arg25[%get3A_128] {strides = array<i32>} : memref<8208xf32, #tpu.memory_space<vmem>>, vector<16xf32>,
      %eq3A_130 = arith.constant 0 : i32
      %eq3A_131 = vector.broadcast %eq3A_130 : i32 to vector<16xi32>
      %eq3A_132 = arith.cmpi eq, %iota3A, %eq3A_131 : vector<16xi32>
      %broadcast_in_dim3A_133 = arith.constant 0.000000e+00 : f32
      %broadcast_in_dim3A_134 = vector.broadcast %broadcast_in_dim3A_133 : f32 to vector<16xf32>
      %select_n3A_135 = arith.select %eq3A_132, %get3A_129, %broadcast_in_dim3A_134 : vector<16xi1>, vector<16xf32>
      %reduce_sum3A_136 = arith.constant true
      %reduce_sum3A_137 = vector.broadcast %reduce_sum3A_136 : i1 to vector<16xi1>
      %reduce_sum3A_138 = tpu.scan <sum>, %select_n3A_135 masked %reduce_sum3A_137 : vector<16xf32>, vector<16xi1> -> vector<16xf32>
      %reduce_sum3A_139 = vector.extract %reduce_sum3A_138[15] : f32 from vector<16xf32>
      %ge3A_140 = vector.broadcast %min3A_65 : i32 to vector<16xi32>
      %ge3A_141 = arith.cmpi sge, %iota3A, %ge3A_140 : vector<16xi32>
      %broadcast_in_dim3A_142 = vector.broadcast %reduce_sum3A_139 : f32 to vector<16xf32>
      %select_n3A_143 = arith.select %ge3A_141, %broadcast_in_dim3A_142, %get3A_129 : vector<16xi1>, vector<16xf32>
      %swap3A_144 = arith.index_cast %mul3A_62 : i32 to index
      %swap3A_145 = tpu.vector_load %arg25[%swap3A_144] {strides = array<i32>} : memref<8208xf32, #tpu.memory_space<vmem>>, vector<16xf32>,
      tpu.vector_store %arg25[%swap3A_144], %select_n3A_143 {strides = array<i32>} : memref<8208xf32, #tpu.memory_space<vmem>>, vector<16xf32>,
      %add3A_146 = arith.constant 16 : i32
      %add3A_147 = arith.addi %mul3A_62, %add3A_146 : i32
      %get3A_148 = arith.index_cast %add3A_147 : i32 to index
      %get3A_149 = tpu.vector_load %arg25[%get3A_148] {strides = array<i32>} : memref<8208xf32, #tpu.memory_space<vmem>>, vector<16xf32>,
      %add3A_150 = arith.constant 16 : i32
      %add3A_151 = vector.broadcast %add3A_150 : i32 to vector<16xi32>
      %add3A_152 = arith.addi %iota3A, %add3A_151 : vector<16xi32>
      %ge3A_153 = vector.broadcast %min3A_65 : i32 to vector<16xi32>
      %ge3A_154 = arith.cmpi sge, %add3A_152, %ge3A_153 : vector<16xi32>
      %broadcast_in_dim3A_155 = vector.broadcast %reduce_sum3A_139 : f32 to vector<16xf32>
      %select_n3A_156 = arith.select %ge3A_154, %broadcast_in_dim3A_155, %get3A_149 : vector<16xi1>, vector<16xf32>
      %add3A_157 = arith.constant 16 : i32
      %add3A_158 = arith.addi %mul3A_62, %add3A_157 : i32
      %swap3A_159 = arith.index_cast %add3A_158 : i32 to index
      %swap3A_160 = tpu.vector_load %arg25[%swap3A_159] {strides = array<i32>} : memref<8208xf32, #tpu.memory_space<vmem>>, vector<16xf32>,
      tpu.vector_store %arg25[%swap3A_159], %select_n3A_156 {strides = array<i32>} : memref<8208xf32, #tpu.memory_space<vmem>>, vector<16xf32>,
      %get3A_161 = arith.index_cast %mul3A_62 : i32 to index
      %get3A_162 = tpu.vector_load %arg26[%get3A_161] {strides = array<i32>} : memref<8208xf32, #tpu.memory_space<vmem>>, vector<16xf32>,
      %eq3A_163 = arith.constant 0 : i32
      %eq3A_164 = vector.broadcast %eq3A_163 : i32 to vector<16xi32>
      %eq3A_165 = arith.cmpi eq, %iota3A, %eq3A_164 : vector<16xi32>
      %broadcast_in_dim3A_166 = arith.constant 0.000000e+00 : f32
      %broadcast_in_dim3A_167 = vector.broadcast %broadcast_in_dim3A_166 : f32 to vector<16xf32>
      %select_n3A_168 = arith.select %eq3A_165, %get3A_162, %broadcast_in_dim3A_167 : vector<16xi1>, vector<16xf32>
      %reduce_sum3A_169 = arith.constant true
      %reduce_sum3A_170 = vector.broadcast %reduce_sum3A_169 : i1 to vector<16xi1>
      %reduce_sum3A_171 = tpu.scan <sum>, %select_n3A_168 masked %reduce_sum3A_170 : vector<16xf32>, vector<16xi1> -> vector<16xf32>
      %reduce_sum3A_172 = vector.extract %reduce_sum3A_171[15] : f32 from vector<16xf32>
      %ge3A_173 = vector.broadcast %min3A_65 : i32 to vector<16xi32>
      %ge3A_174 = arith.cmpi sge, %iota3A, %ge3A_173 : vector<16xi32>
      %broadcast_in_dim3A_175 = vector.broadcast %reduce_sum3A_172 : f32 to vector<16xf32>
      %select_n3A_176 = arith.select %ge3A_174, %broadcast_in_dim3A_175, %get3A_162 : vector<16xi1>, vector<16xf32>
      %swap3A_177 = arith.index_cast %mul3A_62 : i32 to index
      %swap3A_178 = tpu.vector_load %arg26[%swap3A_177] {strides = array<i32>} : memref<8208xf32, #tpu.memory_space<vmem>>, vector<16xf32>,
      tpu.vector_store %arg26[%swap3A_177], %select_n3A_176 {strides = array<i32>} : memref<8208xf32, #tpu.memory_space<vmem>>, vector<16xf32>,
      %add3A_179 = arith.constant 16 : i32
      %add3A_180 = arith.addi %mul3A_62, %add3A_179 : i32
      %get3A_181 = arith.index_cast %add3A_180 : i32 to index
      %get3A_182 = tpu.vector_load %arg26[%get3A_181] {strides = array<i32>} : memref<8208xf32, #tpu.memory_space<vmem>>, vector<16xf32>,
      %add3A_183 = arith.constant 16 : i32
      %add3A_184 = vector.broadcast %add3A_183 : i32 to vector<16xi32>
      %add3A_185 = arith.addi %iota3A, %add3A_184 : vector<16xi32>
      %ge3A_186 = vector.broadcast %min3A_65 : i32 to vector<16xi32>
      %ge3A_187 = arith.cmpi sge, %add3A_185, %ge3A_186 : vector<16xi32>
      %broadcast_in_dim3A_188 = vector.broadcast %reduce_sum3A_172 : f32 to vector<16xf32>
      %select_n3A_189 = arith.select %ge3A_187, %broadcast_in_dim3A_188, %get3A_182 : vector<16xi1>, vector<16xf32>
      %add3A_190 = arith.constant 16 : i32
      %add3A_191 = arith.addi %mul3A_62, %add3A_190 : i32
      %swap3A_192 = arith.index_cast %add3A_191 : i32 to index
      %swap3A_193 = tpu.vector_load %arg26[%swap3A_192] {strides = array<i32>} : memref<8208xf32, #tpu.memory_space<vmem>>, vector<16xf32>,
      tpu.vector_store %arg26[%swap3A_192], %select_n3A_189 {strides = array<i32>} : memref<8208xf32, #tpu.memory_space<vmem>>, vector<16xf32>,
      %scan3A_194 = arith.constant 0 : i32
      scf.yield %scan3A_194 : i32
    }
    %scan3A_38 = arith.constant 256 : i32
    %mul3A_39 = arith.constant 32 : i32
    %mul3A_40 = arith.muli %mul3A_32, %mul3A_39 : i32
    %run_scoped3A = arith.constant 0 : i32
    "tpu.region"() ({
      %run_scoped3A_50 = tpu.sem_alloc : memref<!tpu.dma_semaphore, #tpu.memory_space<semaphore_mem>>
      %dma_start3A = arith.constant 0 : i32
      %dma_start3A_51 = tpu.memref_slice %arg23[%dma_start3A] : memref<8208xf32, #tpu.memory_space<vmem>> -> memref<8192xf32, #tpu.memory_space<vmem>>
      %dma_start3A_52 = tpu.memref_slice %arg12[%select_n3A, %run_scoped3A, %mul3A_40] : memref<8x4x32768xf32, #tpu.memory_space<hbm>> -> memref<1x1x8192xf32, #tpu.memory_space<hbm>>
      %dma_start3A_53 = tpu.memref_squeeze %dma_start3A_52 : memref<1x1x8192xf32, #tpu.memory_space<hbm>> -> memref<8192xf32, #tpu.memory_space<hbm>>
      %dma_start3A_54 = tpu.memref_slice %arg12[%select_n3A, %run_scoped3A, %mul3A_40] : memref<8x4x32768xf32, #tpu.memory_space<hbm>> -> memref<1x1x8192xf32, #tpu.memory_space<hbm>>
      %dma_start3A_55 = tpu.memref_squeeze %dma_start3A_54 : memref<1x1x8192xf32, #tpu.memory_space<hbm>> -> memref<8192xf32, #tpu.memory_space<hbm>>
      %dma_start3A_56 = arith.constant 0 : i32
      %dma_start3A_57 = tpu.memref_slice %arg23[%dma_start3A_56] : memref<8208xf32, #tpu.memory_space<vmem>> -> memref<8192xf32, #tpu.memory_space<vmem>>
      tpu.enqueue_dma source(%dma_start3A_57 : memref<8192xf32, #tpu.memory_space<vmem>>) target(%dma_start3A_55 : memref<8192xf32, #tpu.memory_space<hbm>>) target_semaphore(%run_scoped3A_50 : memref<!tpu.dma_semaphore, #tpu.memory_space<semaphore_mem>>)
      %dma_wait3A = arith.constant 0 : i32
      %dma_wait3A_58 = tpu.memref_slice %arg23[%dma_wait3A] : memref<8208xf32, #tpu.memory_space<vmem>> -> memref<8192xf32, #tpu.memory_space<vmem>>
      %dma_wait3A_59 = tpu.memref_slice %arg12[%select_n3A, %run_scoped3A, %mul3A_40] : memref<8x4x32768xf32, #tpu.memory_space<hbm>> -> memref<1x1x8192xf32, #tpu.memory_space<hbm>>
      %dma_wait3A_60 = tpu.memref_squeeze %dma_wait3A_59 : memref<1x1x8192xf32, #tpu.memory_space<hbm>> -> memref<8192xf32, #tpu.memory_space<hbm>>
      %dma_wait3A_61 = tpu.memref_slice %arg12[%select_n3A, %run_scoped3A, %mul3A_40] : memref<8x4x32768xf32, #tpu.memory_space<hbm>> -> memref<1x1x8192xf32, #tpu.memory_space<hbm>>
      %dma_wait3A_62 = tpu.memref_squeeze %dma_wait3A_61 : memref<1x1x8192xf32, #tpu.memory_space<hbm>> -> memref<8192xf32, #tpu.memory_space<hbm>>
      %dma_wait3A_63 = arith.constant 0 : i32
      %dma_wait3A_64 = tpu.memref_slice %arg23[%dma_wait3A_63] : memref<8208xf32, #tpu.memory_space<vmem>> -> memref<8192xf32, #tpu.memory_space<vmem>>
      tpu.wait_dma2 semaphore(%run_scoped3A_50 : memref<!tpu.dma_semaphore, #tpu.memory_space<semaphore_mem>>) src(%dma_wait3A_64 : memref<8192xf32, #tpu.memory_space<vmem>>) dst(%dma_wait3A_62 : memref<8192xf32, #tpu.memory_space<hbm>>)
      tpu.yield
    }) : () -> ()
    %mul3A_41 = arith.constant 32 : i32
    %mul3A_42 = arith.muli %mul3A_32, %mul3A_41 : i32
    %run_scoped3A_43 = arith.constant 1 : i32
    "tpu.region"() ({
      %run_scoped3A_50 = tpu.sem_alloc : memref<!tpu.dma_semaphore, #tpu.memory_space<semaphore_mem>>
      %dma_start3A = arith.constant 0 : i32
      %dma_start3A_51 = tpu.memref_slice %arg24[%dma_start3A] : memref<8208xf32, #tpu.memory_space<vmem>> -> memref<8192xf32, #tpu.memory_space<vmem>>
      %dma_start3A_52 = tpu.memref_slice %arg12[%select_n3A, %run_scoped3A_43, %mul3A_42] : memref<8x4x32768xf32, #tpu.memory_space<hbm>> -> memref<1x1x8192xf32, #tpu.memory_space<hbm>>
      %dma_start3A_53 = tpu.memref_squeeze %dma_start3A_52 : memref<1x1x8192xf32, #tpu.memory_space<hbm>> -> memref<8192xf32, #tpu.memory_space<hbm>>
      %dma_start3A_54 = tpu.memref_slice %arg12[%select_n3A, %run_scoped3A_43, %mul3A_42] : memref<8x4x32768xf32, #tpu.memory_space<hbm>> -> memref<1x1x8192xf32, #tpu.memory_space<hbm>>
      %dma_start3A_55 = tpu.memref_squeeze %dma_start3A_54 : memref<1x1x8192xf32, #tpu.memory_space<hbm>> -> memref<8192xf32, #tpu.memory_space<hbm>>
      %dma_start3A_56 = arith.constant 0 : i32
      %dma_start3A_57 = tpu.memref_slice %arg24[%dma_start3A_56] : memref<8208xf32, #tpu.memory_space<vmem>> -> memref<8192xf32, #tpu.memory_space<vmem>>
      tpu.enqueue_dma source(%dma_start3A_57 : memref<8192xf32, #tpu.memory_space<vmem>>) target(%dma_start3A_55 : memref<8192xf32, #tpu.memory_space<hbm>>) target_semaphore(%run_scoped3A_50 : memref<!tpu.dma_semaphore, #tpu.memory_space<semaphore_mem>>)
      %dma_wait3A = arith.constant 0 : i32
      %dma_wait3A_58 = tpu.memref_slice %arg24[%dma_wait3A] : memref<8208xf32, #tpu.memory_space<vmem>> -> memref<8192xf32, #tpu.memory_space<vmem>>
      %dma_wait3A_59 = tpu.memref_slice %arg12[%select_n3A, %run_scoped3A_43, %mul3A_42] : memref<8x4x32768xf32, #tpu.memory_space<hbm>> -> memref<1x1x8192xf32, #tpu.memory_space<hbm>>
      %dma_wait3A_60 = tpu.memref_squeeze %dma_wait3A_59 : memref<1x1x8192xf32, #tpu.memory_space<hbm>> -> memref<8192xf32, #tpu.memory_space<hbm>>
      %dma_wait3A_61 = tpu.memref_slice %arg12[%select_n3A, %run_scoped3A_43, %mul3A_42] : memref<8x4x32768xf32, #tpu.memory_space<hbm>> -> memref<1x1x8192xf32, #tpu.memory_space<hbm>>
      %dma_wait3A_62 = tpu.memref_squeeze %dma_wait3A_61 : memref<1x1x8192xf32, #tpu.memory_space<hbm>> -> memref<8192xf32, #tpu.memory_space<hbm>>
      %dma_wait3A_63 = arith.constant 0 : i32
      %dma_wait3A_64 = tpu.memref_slice %arg24[%dma_wait3A_63] : memref<8208xf32, #tpu.memory_space<vmem>> -> memref<8192xf32, #tpu.memory_space<vmem>>
      tpu.wait_dma2 semaphore(%run_scoped3A_50 : memref<!tpu.dma_semaphore, #tpu.memory_space<semaphore_mem>>) src(%dma_wait3A_64 : memref<8192xf32, #tpu.memory_space<vmem>>) dst(%dma_wait3A_62 : memref<8192xf32, #tpu.memory_space<hbm>>)
      tpu.yield
    }) : () -> ()
    %mul3A_44 = arith.constant 32 : i32
    %mul3A_45 = arith.muli %mul3A_32, %mul3A_44 : i32
    %run_scoped3A_46 = arith.constant 2 : i32
    "tpu.region"() ({
      %run_scoped3A_50 = tpu.sem_alloc : memref<!tpu.dma_semaphore, #tpu.memory_space<semaphore_mem>>
      %dma_start3A = arith.constant 0 : i32
      %dma_start3A_51 = tpu.memref_slice %arg25[%dma_start3A] : memref<8208xf32, #tpu.memory_space<vmem>> -> memref<8192xf32, #tpu.memory_space<vmem>>
      %dma_start3A_52 = tpu.memref_slice %arg12[%select_n3A, %run_scoped3A_46, %mul3A_45] : memref<8x4x32768xf32, #tpu.memory_space<hbm>> -> memref<1x1x8192xf32, #tpu.memory_space<hbm>>
      %dma_start3A_53 = tpu.memref_squeeze %dma_start3A_52 : memref<1x1x8192xf32, #tpu.memory_space<hbm>> -> memref<8192xf32, #tpu.memory_space<hbm>>
      %dma_start3A_54 = tpu.memref_slice %arg12[%select_n3A, %run_scoped3A_46, %mul3A_45] : memref<8x4x32768xf32, #tpu.memory_space<hbm>> -> memref<1x1x8192xf32, #tpu.memory_space<hbm>>
      %dma_start3A_55 = tpu.memref_squeeze %dma_start3A_54 : memref<1x1x8192xf32, #tpu.memory_space<hbm>> -> memref<8192xf32, #tpu.memory_space<hbm>>
      %dma_start3A_56 = arith.constant 0 : i32
      %dma_start3A_57 = tpu.memref_slice %arg25[%dma_start3A_56] : memref<8208xf32, #tpu.memory_space<vmem>> -> memref<8192xf32, #tpu.memory_space<vmem>>
      tpu.enqueue_dma source(%dma_start3A_57 : memref<8192xf32, #tpu.memory_space<vmem>>) target(%dma_start3A_55 : memref<8192xf32, #tpu.memory_space<hbm>>) target_semaphore(%run_scoped3A_50 : memref<!tpu.dma_semaphore, #tpu.memory_space<semaphore_mem>>)
      %dma_wait3A = arith.constant 0 : i32
      %dma_wait3A_58 = tpu.memref_slice %arg25[%dma_wait3A] : memref<8208xf32, #tpu.memory_space<vmem>> -> memref<8192xf32, #tpu.memory_space<vmem>>
      %dma_wait3A_59 = tpu.memref_slice %arg12[%select_n3A, %run_scoped3A_46, %mul3A_45] : memref<8x4x32768xf32, #tpu.memory_space<hbm>> -> memref<1x1x8192xf32, #tpu.memory_space<hbm>>
      %dma_wait3A_60 = tpu.memref_squeeze %dma_wait3A_59 : memref<1x1x8192xf32, #tpu.memory_space<hbm>> -> memref<8192xf32, #tpu.memory_space<hbm>>
      %dma_wait3A_61 = tpu.memref_slice %arg12[%select_n3A, %run_scoped3A_46, %mul3A_45] : memref<8x4x32768xf32, #tpu.memory_space<hbm>> -> memref<1x1x8192xf32, #tpu.memory_space<hbm>>
      %dma_wait3A_62 = tpu.memref_squeeze %dma_wait3A_61 : memref<1x1x8192xf32, #tpu.memory_space<hbm>> -> memref<8192xf32, #tpu.memory_space<hbm>>
      %dma_wait3A_63 = arith.constant 0 : i32
      %dma_wait3A_64 = tpu.memref_slice %arg25[%dma_wait3A_63] : memref<8208xf32, #tpu.memory_space<vmem>> -> memref<8192xf32, #tpu.memory_space<vmem>>
      tpu.wait_dma2 semaphore(%run_scoped3A_50 : memref<!tpu.dma_semaphore, #tpu.memory_space<semaphore_mem>>) src(%dma_wait3A_64 : memref<8192xf32, #tpu.memory_space<vmem>>) dst(%dma_wait3A_62 : memref<8192xf32, #tpu.memory_space<hbm>>)
      tpu.yield
    }) : () -> ()
    %mul3A_47 = arith.constant 32 : i32
    %mul3A_48 = arith.muli %mul3A_32, %mul3A_47 : i32
    %run_scoped3A_49 = arith.constant 3 : i32
    "tpu.region"() ({
      %run_scoped3A_50 = tpu.sem_alloc : memref<!tpu.dma_semaphore, #tpu.memory_space<semaphore_mem>>
      %dma_start3A = arith.constant 0 : i32
      %dma_start3A_51 = tpu.memref_slice %arg26[%dma_start3A] : memref<8208xf32, #tpu.memory_space<vmem>> -> memref<8192xf32, #tpu.memory_space<vmem>>
      %dma_start3A_52 = tpu.memref_slice %arg12[%select_n3A, %run_scoped3A_49, %mul3A_48] : memref<8x4x32768xf32, #tpu.memory_space<hbm>> -> memref<1x1x8192xf32, #tpu.memory_space<hbm>>
      %dma_start3A_53 = tpu.memref_squeeze %dma_start3A_52 : memref<1x1x8192xf32, #tpu.memory_space<hbm>> -> memref<8192xf32, #tpu.memory_space<hbm>>
      %dma_start3A_54 = tpu.memref_slice %arg12[%select_n3A, %run_scoped3A_49, %mul3A_48] : memref<8x4x32768xf32, #tpu.memory_space<hbm>> -> memref<1x1x8192xf32, #tpu.memory_space<hbm>>
      %dma_start3A_55 = tpu.memref_squeeze %dma_start3A_54 : memref<1x1x8192xf32, #tpu.memory_space<hbm>> -> memref<8192xf32, #tpu.memory_space<hbm>>
      %dma_start3A_56 = arith.constant 0 : i32
      %dma_start3A_57 = tpu.memref_slice %arg26[%dma_start3A_56] : memref<8208xf32, #tpu.memory_space<vmem>> -> memref<8192xf32, #tpu.memory_space<vmem>>
      tpu.enqueue_dma source(%dma_start3A_57 : memref<8192xf32, #tpu.memory_space<vmem>>) target(%dma_start3A_55 : memref<8192xf32, #tpu.memory_space<hbm>>) target_semaphore(%run_scoped3A_50 : memref<!tpu.dma_semaphore, #tpu.memory_space<semaphore_mem>>)
      %dma_wait3A = arith.constant 0 : i32
      %dma_wait3A_58 = tpu.memref_slice %arg26[%dma_wait3A] : memref<8208xf32, #tpu.memory_space<vmem>> -> memref<8192xf32, #tpu.memory_space<vmem>>
      %dma_wait3A_59 = tpu.memref_slice %arg12[%select_n3A, %run_scoped3A_49, %mul3A_48] : memref<8x4x32768xf32, #tpu.memory_space<hbm>> -> memref<1x1x8192xf32, #tpu.memory_space<hbm>>
      %dma_wait3A_60 = tpu.memref_squeeze %dma_wait3A_59 : memref<1x1x8192xf32, #tpu.memory_space<hbm>> -> memref<8192xf32, #tpu.memory_space<hbm>>
      %dma_wait3A_61 = tpu.memref_slice %arg12[%select_n3A, %run_scoped3A_49, %mul3A_48] : memref<8x4x32768xf32, #tpu.memory_space<hbm>> -> memref<1x1x8192xf32, #tpu.memory_space<hbm>>
      %dma_wait3A_62 = tpu.memref_squeeze %dma_wait3A_61 : memref<1x1x8192xf32, #tpu.memory_space<hbm>> -> memref<8192xf32, #tpu.memory_space<hbm>>
      %dma_wait3A_63 = arith.constant 0 : i32
      %dma_wait3A_64 = tpu.memref_slice %arg26[%dma_wait3A_63] : memref<8208xf32, #tpu.memory_space<vmem>> -> memref<8192xf32, #tpu.memory_space<vmem>>
      tpu.wait_dma2 semaphore(%run_scoped3A_50 : memref<!tpu.dma_semaphore, #tpu.memory_space<semaphore_mem>>) src(%dma_wait3A_64 : memref<8192xf32, #tpu.memory_space<vmem>>) dst(%dma_wait3A_62 : memref<8192xf32, #tpu.memory_space<hbm>>)
      tpu.yield
    }) : () -> ()
    return
  }
}

module attributes {stable_mosaic.version = 14 : i64} {
  func.func @_fps_body(%arg0: memref<8x4096xf32, #tpu.memory_space<vmem>>, %arg1: memref<8x4096xf32, #tpu.memory_space<vmem>>, %arg2: memref<8x1024xf32, #tpu.memory_space<vmem>>, %arg3: memref<8x1024xf32, #tpu.memory_space<vmem>>, %arg4: memref<8x1024xf32, #tpu.memory_space<vmem>>, %arg5: memref<8x4096xf32, #tpu.memory_space<vmem>>, %arg6: memref<8x4096xf32, #tpu.memory_space<vmem>>, %arg7: memref<8x4096xf32, #tpu.memory_space<vmem>>, %arg8: memref<8x1024xf32, #tpu.memory_space<vmem>>, %arg9: memref<8x1024xf32, #tpu.memory_space<vmem>>) attributes {dimension_semantics = [], scalar_prefetch = 0 : i64, scratch_operands = 0 : i64, tpu.core_type = #tpu.core_type<tc>} {
    %get3A = arith.constant 0 : index
    %get3A_0 = arith.constant 0 : index
    %get3A_1 = vector.load %arg0[%get3A, %get3A_0] : memref<8x4096xf32, #tpu.memory_space<vmem>>, vector<8x4096xf32>
    %get3A_2 = arith.constant 0 : index
    %get3A_3 = arith.constant 0 : index
    %get3A_4 = vector.load %arg1[%get3A_2, %get3A_3] : memref<8x4096xf32, #tpu.memory_space<vmem>>, vector<8x4096xf32>
    %mul3A = arith.mulf %get3A_1, %get3A_1 : vector<8x4096xf32>
    %mul3A_5 = arith.mulf %get3A_4, %get3A_4 : vector<8x4096xf32>
    %add3A = arith.addf %mul3A, %mul3A_5 : vector<8x4096xf32>
    %swap3A = arith.constant 0 : index
    %swap3A_6 = arith.constant 0 : index
    %swap3A_7 = vector.load %arg5[%swap3A, %swap3A_6] : memref<8x4096xf32, #tpu.memory_space<vmem>>, vector<8x4096xf32>
    tpu.vector_store %arg5[%swap3A, %swap3A_6], %add3A {strides = array<i32>} : memref<8x4096xf32, #tpu.memory_space<vmem>>, vector<8x4096xf32>,
    %convert_element_type3A = arith.truncf %get3A_1 : vector<8x4096xf32> to vector<8x4096xbf16>
    %convert_element_type3A_8 = arith.extf %convert_element_type3A : vector<8x4096xbf16> to vector<8x4096xf32>
    %swap3A_9 = arith.constant 0 : index
    %swap3A_10 = arith.constant 0 : index
    %swap3A_11 = vector.load %arg6[%swap3A_9, %swap3A_10] : memref<8x4096xf32, #tpu.memory_space<vmem>>, vector<8x4096xf32>
    tpu.vector_store %arg6[%swap3A_9, %swap3A_10], %convert_element_type3A_8 {strides = array<i32>} : memref<8x4096xf32, #tpu.memory_space<vmem>>, vector<8x4096xf32>,
    %convert_element_type3A_12 = arith.truncf %get3A_4 : vector<8x4096xf32> to vector<8x4096xbf16>
    %convert_element_type3A_13 = arith.extf %convert_element_type3A_12 : vector<8x4096xbf16> to vector<8x4096xf32>
    %swap3A_14 = arith.constant 0 : index
    %swap3A_15 = arith.constant 0 : index
    %swap3A_16 = vector.load %arg7[%swap3A_14, %swap3A_15] : memref<8x4096xf32, #tpu.memory_space<vmem>>, vector<8x4096xf32>
    tpu.vector_store %arg7[%swap3A_14, %swap3A_15], %convert_element_type3A_13 {strides = array<i32>} : memref<8x4096xf32, #tpu.memory_space<vmem>>, vector<8x4096xf32>,
    %iota3A = tpu.iota {dimensions = array<i32: 1>} : vector<8x4096xi32>
    %broadcast_in_dim3A = arith.constant 0.000000e+00 : f32
    %broadcast_in_dim3A_17 = vector.broadcast %broadcast_in_dim3A : f32 to vector<8x4096xf32>
    %broadcast_in_dim3A_18 = arith.constant 1.000000e+10 : f32
    %broadcast_in_dim3A_19 = vector.broadcast %broadcast_in_dim3A_18 : f32 to vector<8x4096xf32>
    %broadcast_in_dim3A_20 = arith.constant 0 : i32
    %broadcast_in_dim3A_21 = vector.broadcast %broadcast_in_dim3A_20 : i32 to vector<8x1xi32>
    %iota3A_22 = tpu.iota {dimensions = array<i32: 1>} : vector<8x128xi32>
    %scan3A = arith.constant 0 : i32
    %scan3A_23 = arith.constant 1024 : i32
    %scan3A_24 = arith.addi %scan3A, %scan3A_23 : i32
    %scan3A_25 = arith.constant 1 : i32
    %scan3A_26:2 = scf.for %scan3A_50 = %scan3A to %scan3A_24 step %scan3A_25 iter_args(%scan3A_51 = %broadcast_in_dim3A_19, %scan3A_52 = %broadcast_in_dim3A_21) -> (vector<8x4096xf32>, vector<8x1xi32>)  : i32 {
      %eq3A = vector.broadcast %scan3A_52 : vector<8x1xi32> to vector<8x4096xi32>
      %eq3A_53 = arith.cmpi eq, %iota3A, %eq3A : vector<8x4096xi32>
      %select_n3A = arith.select %eq3A_53, %get3A_1, %broadcast_in_dim3A_17 : vector<8x4096xi1>, vector<8x4096xf32>
      %reduce_sum3A = arith.constant dense<0.000000e+00> : vector<8xf32>
      %reduce_sum3A_54 = vector.multi_reduction <add>, %select_n3A, %reduce_sum3A [1] : vector<8x4096xf32> to vector<8xf32>
      %broadcast_in_dim3A_55 = vector.shape_cast %reduce_sum3A_54 : vector<8xf32> to vector<8x1xf32>
      %select_n3A_56 = arith.select %eq3A_53, %get3A_4, %broadcast_in_dim3A_17 : vector<8x4096xi1>, vector<8x4096xf32>
      %reduce_sum3A_57 = arith.constant dense<0.000000e+00> : vector<8xf32>
      %reduce_sum3A_58 = vector.multi_reduction <add>, %select_n3A_56, %reduce_sum3A_57 [1] : vector<8x4096xf32> to vector<8xf32>
      %broadcast_in_dim3A_59 = vector.shape_cast %reduce_sum3A_58 : vector<8xf32> to vector<8x1xf32>
      %jit3A = arith.constant 128 : i32
      %div3A = arith.divsi %scan3A_50, %jit3A : i32
      %sign3A = arith.constant 0 : i32
      %sign3A_60 = arith.cmpi sgt, %scan3A_50, %sign3A : i32
      %sign3A_61 = arith.extui %sign3A_60 : i1 to i32
      %sign3A_62 = arith.constant 0 : i32
      %sign3A_63 = arith.cmpi slt, %scan3A_50, %sign3A_62 : i32
      %sign3A_64 = arith.extui %sign3A_63 : i1 to i32
      %sign3A_65 = arith.subi %sign3A_61, %sign3A_64 : i32
      %sign3A_66 = arith.constant 0 : i32
      %sign3A_67 = arith.cmpi sgt, %jit3A, %sign3A_66 : i32
      %sign3A_68 = arith.extui %sign3A_67 : i1 to i32
      %sign3A_69 = arith.constant 0 : i32
      %sign3A_70 = arith.cmpi slt, %jit3A, %sign3A_69 : i32
      %sign3A_71 = arith.extui %sign3A_70 : i1 to i32
      %sign3A_72 = arith.subi %sign3A_68, %sign3A_71 : i32
      %ne3A = arith.cmpi ne, %sign3A_65, %sign3A_72 : i32
      %rem3A = arith.remsi %scan3A_50, %jit3A : i32
      %ne3A_73 = arith.constant 0 : i32
      %ne3A_74 = arith.cmpi ne, %rem3A, %ne3A_73 : i32
      %and3A = arith.andi %ne3A, %ne3A_74 : i1
      %sub3A = arith.constant 1 : i32
      %sub3A_75 = arith.subi %div3A, %sub3A : i32
      %select_n3A_76 = arith.select %and3A, %sub3A_75, %div3A : i32
      %mul3A_77 = arith.constant 128 : i32
      %mul3A_78 = arith.muli %select_n3A_76, %mul3A_77 : i32
      %multiple_of3A = tpu.assume_multiple %mul3A_78, 128 : i32
      %jit3A_79 = arith.constant 128 : i32
      %eq3A_80 = arith.constant 0 : i32
      %eq3A_81 = arith.cmpi eq, %jit3A_79, %eq3A_80 : i32
      %jit3A_82 = arith.constant 1 : i32
      %select_n3A_83 = arith.select %eq3A_81, %jit3A_82, %jit3A_79 : i32
      %rem3A_84 = arith.remsi %scan3A_50, %select_n3A_83 : i32
      %ne3A_85 = arith.constant 0 : i32
      %ne3A_86 = arith.cmpi ne, %rem3A_84, %ne3A_85 : i32
      %lt3A = arith.constant 0 : i32
      %lt3A_87 = arith.cmpi slt, %rem3A_84, %lt3A : i32
      %lt3A_88 = arith.constant 0 : i32
      %lt3A_89 = arith.cmpi slt, %select_n3A_83, %lt3A_88 : i32
      %ne3A_90 = arith.xori %lt3A_87, %lt3A_89 : i1
      %and3A_91 = arith.andi %ne3A_90, %ne3A_86 : i1
      %add3A_92 = arith.addi %rem3A_84, %select_n3A_83 : i32
      %select_n3A_93 = arith.select %and3A_91, %add3A_92, %rem3A_84 : i32
      %eq3A_94 = vector.broadcast %select_n3A_93 : i32 to vector<8x128xi32>
      %eq3A_95 = arith.cmpi eq, %iota3A_22, %eq3A_94 : vector<8x128xi32>
      %get3A_96 = arith.constant 0 : index
      %get3A_97 = arith.index_cast %multiple_of3A : i32 to index
      %get3A_98 = vector.load %arg2[%get3A_96, %get3A_97] : memref<8x1024xf32, #tpu.memory_space<vmem>>, vector<8x128xf32>
      %broadcast_in_dim3A_99 = vector.shape_cast %broadcast_in_dim3A_55 : vector<8x1xf32> to vector<8x1xf32>
      %broadcast_in_dim3A_100 = vector.broadcast %broadcast_in_dim3A_99 : vector<8x1xf32> to vector<8x128xf32>
      %select_n3A_101 = arith.select %eq3A_95, %broadcast_in_dim3A_100, %get3A_98 : vector<8x128xi1>, vector<8x128xf32>
      %swap3A_102 = arith.constant 0 : index
      %swap3A_103 = arith.index_cast %multiple_of3A : i32 to index
      %swap3A_104 = vector.load %arg2[%swap3A_102, %swap3A_103] : memref<8x1024xf32, #tpu.memory_space<vmem>>, vector<8x128xf32>
      tpu.vector_store %arg2[%swap3A_102, %swap3A_103], %select_n3A_101 {strides = array<i32>} : memref<8x1024xf32, #tpu.memory_space<vmem>>, vector<8x128xf32>,
      %get3A_105 = arith.constant 0 : index
      %get3A_106 = arith.index_cast %multiple_of3A : i32 to index
      %get3A_107 = vector.load %arg3[%get3A_105, %get3A_106] : memref<8x1024xf32, #tpu.memory_space<vmem>>, vector<8x128xf32>
      %broadcast_in_dim3A_108 = vector.shape_cast %broadcast_in_dim3A_59 : vector<8x1xf32> to vector<8x1xf32>
      %broadcast_in_dim3A_109 = vector.broadcast %broadcast_in_dim3A_108 : vector<8x1xf32> to vector<8x128xf32>
      %select_n3A_110 = arith.select %eq3A_95, %broadcast_in_dim3A_109, %get3A_107 : vector<8x128xi1>, vector<8x128xf32>
      %swap3A_111 = arith.constant 0 : index
      %swap3A_112 = arith.index_cast %multiple_of3A : i32 to index
      %swap3A_113 = vector.load %arg3[%swap3A_111, %swap3A_112] : memref<8x1024xf32, #tpu.memory_space<vmem>>, vector<8x128xf32>
      tpu.vector_store %arg3[%swap3A_111, %swap3A_112], %select_n3A_110 {strides = array<i32>} : memref<8x1024xf32, #tpu.memory_space<vmem>>, vector<8x128xf32>,
      %sub3A_114 = vector.broadcast %broadcast_in_dim3A_55 : vector<8x1xf32> to vector<8x4096xf32>
      %sub3A_115 = arith.subf %get3A_1, %sub3A_114 : vector<8x4096xf32>
      %integer_pow3A = arith.mulf %sub3A_115, %sub3A_115 : vector<8x4096xf32>
      %sub3A_116 = vector.broadcast %broadcast_in_dim3A_59 : vector<8x1xf32> to vector<8x4096xf32>
      %sub3A_117 = arith.subf %get3A_4, %sub3A_116 : vector<8x4096xf32>
      %integer_pow3A_118 = arith.mulf %sub3A_117, %sub3A_117 : vector<8x4096xf32>
      %add3A_119 = arith.addf %integer_pow3A, %integer_pow3A_118 : vector<8x4096xf32>
      %min3A = arith.minimumf %scan3A_51, %add3A_119 : vector<8x4096xf32>
      %reduce_max3A = arith.constant dense<0xFF800000> : vector<8xf32>
      %reduce_max3A_120 = vector.multi_reduction <maximumf>, %min3A, %reduce_max3A [1] : vector<8x4096xf32> to vector<8xf32>
      %broadcast_in_dim3A_121 = vector.shape_cast %reduce_max3A_120 : vector<8xf32> to vector<8x1xf32>
      %eq3A_122 = vector.broadcast %broadcast_in_dim3A_121 : vector<8x1xf32> to vector<8x4096xf32>
      %eq3A_123 = arith.cmpf oeq, %min3A, %eq3A_122 : vector<8x4096xf32>
      %jit3A_124 = arith.constant 4096 : i32
      %broadcast_in_dim3A_125 = vector.broadcast %jit3A_124 : i32 to vector<8x4096xi32>
      %select_n3A_126 = arith.select %eq3A_123, %iota3A, %broadcast_in_dim3A_125 : vector<8x4096xi1>, vector<8x4096xi32>
      %reduce_min3A = arith.constant dense<2147483647> : vector<8xi32>
      %reduce_min3A_127 = vector.multi_reduction <minsi>, %select_n3A_126, %reduce_min3A [1] : vector<8x4096xi32> to vector<8xi32>
      %broadcast_in_dim3A_128 = vector.shape_cast %reduce_min3A_127 : vector<8xi32> to vector<8x1xi32>
      scf.yield %min3A, %broadcast_in_dim3A_128 : vector<8x4096xf32>, vector<8x1xi32>
    }
    %scan3A_27 = arith.constant 1024 : i32
    %get3A_28 = arith.constant 0 : index
    %get3A_29 = arith.constant 0 : index
    %get3A_30 = vector.load %arg2[%get3A_28, %get3A_29] : memref<8x1024xf32, #tpu.memory_space<vmem>>, vector<8x1024xf32>
    %get3A_31 = arith.constant 0 : index
    %get3A_32 = arith.constant 0 : index
    %get3A_33 = vector.load %arg3[%get3A_31, %get3A_32] : memref<8x1024xf32, #tpu.memory_space<vmem>>, vector<8x1024xf32>
    %mul3A_34 = arith.mulf %get3A_30, %get3A_30 : vector<8x1024xf32>
    %mul3A_35 = arith.mulf %get3A_33, %get3A_33 : vector<8x1024xf32>
    %add3A_36 = arith.addf %mul3A_34, %mul3A_35 : vector<8x1024xf32>
    %swap3A_37 = arith.constant 0 : index
    %swap3A_38 = arith.constant 0 : index
    %swap3A_39 = vector.load %arg4[%swap3A_37, %swap3A_38] : memref<8x1024xf32, #tpu.memory_space<vmem>>, vector<8x1024xf32>
    tpu.vector_store %arg4[%swap3A_37, %swap3A_38], %add3A_36 {strides = array<i32>} : memref<8x1024xf32, #tpu.memory_space<vmem>>, vector<8x1024xf32>,
    %convert_element_type3A_40 = arith.truncf %get3A_30 : vector<8x1024xf32> to vector<8x1024xbf16>
    %convert_element_type3A_41 = arith.extf %convert_element_type3A_40 : vector<8x1024xbf16> to vector<8x1024xf32>
    %swap3A_42 = arith.constant 0 : index
    %swap3A_43 = arith.constant 0 : index
    %swap3A_44 = vector.load %arg8[%swap3A_42, %swap3A_43] : memref<8x1024xf32, #tpu.memory_space<vmem>>, vector<8x1024xf32>
    tpu.vector_store %arg8[%swap3A_42, %swap3A_43], %convert_element_type3A_41 {strides = array<i32>} : memref<8x1024xf32, #tpu.memory_space<vmem>>, vector<8x1024xf32>,
    %convert_element_type3A_45 = arith.truncf %get3A_33 : vector<8x1024xf32> to vector<8x1024xbf16>
    %convert_element_type3A_46 = arith.extf %convert_element_type3A_45 : vector<8x1024xbf16> to vector<8x1024xf32>
    %swap3A_47 = arith.constant 0 : index
    %swap3A_48 = arith.constant 0 : index
    %swap3A_49 = vector.load %arg9[%swap3A_47, %swap3A_48] : memref<8x1024xf32, #tpu.memory_space<vmem>>, vector<8x1024xf32>
    tpu.vector_store %arg9[%swap3A_47, %swap3A_48], %convert_element_type3A_46 {strides = array<i32>} : memref<8x1024xf32, #tpu.memory_space<vmem>>, vector<8x1024xf32>,
    return
  }
}

module attributes {stable_mosaic.version = 14 : i64} {
  func.func @_norm_body(%arg0: i32, %arg1: memref<1x4x1024x32xf32, #tpu.memory_space<vmem>>, %arg2: memref<4xf32, #tpu.memory_space<smem>>, %arg3: memref<4xf32, #tpu.memory_space<smem>>, %arg4: memref<1x4x1024x32xf32, #tpu.memory_space<vmem>>) attributes {dimension_semantics = [#tpu.dimension_semantics<arbitrary>], iteration_bounds = array<i64: 8>, scalar_prefetch = 0 : i64, scratch_operands = 0 : i64, tpu.core_type = #tpu.core_type<tc>, window_params = [{transform_indices = @transform_0, window_bounds = array<i64: 1, 4, 1024, 32>}, {transform_indices = @transform_1, window_bounds = array<i64: 4>}, {transform_indices = @transform_2, window_bounds = array<i64: 4>}, {transform_indices = @transform_3, window_bounds = array<i64: 1, 4, 1024, 32>}]} {
    %get3A = arith.constant 0 : index
    %get3A_0 = arith.constant 0 : index
    %get3A_1 = arith.constant 0 : index
    %get3A_2 = arith.constant 0 : index
    %get3A_3 = vector.load %arg1[%get3A, %get3A_0, %get3A_1, %get3A_2] : memref<1x4x1024x32xf32, #tpu.memory_space<vmem>>, vector<1x4x1024x32xf32>
    %get3A_4 = vector.shape_cast %get3A_3 : vector<1x4x1024x32xf32> to vector<4x1024x32xf32>
    %reduce_sum3A = arith.constant dense<0.000000e+00> : vector<4x1024xf32>
    %reduce_sum3A_5 = vector.multi_reduction <add>, %get3A_4, %reduce_sum3A [2] : vector<4x1024x32xf32> to vector<4x1024xf32>
    %broadcast_in_dim3A = vector.shape_cast %reduce_sum3A_5 : vector<4x1024xf32> to vector<4x1024x1xf32>
    %div3A = arith.constant 3.200000e+01 : f32
    %div3A_6 = vector.broadcast %div3A : f32 to vector<4x1024x1xf32>
    %div3A_7 = arith.divf %broadcast_in_dim3A, %div3A_6 : vector<4x1024x1xf32>
    %sub3A = vector.broadcast %div3A_7 : vector<4x1024x1xf32> to vector<4x1024x32xf32>
    %sub3A_8 = arith.subf %get3A_4, %sub3A : vector<4x1024x32xf32>
    %reduce_sum3A_9 = vector.shape_cast %sub3A_8 : vector<4x1024x32xf32> to vector<1x4x1024x32xf32>
    %reduce_sum3A_10 = arith.constant dense<0.000000e+00> : vector<1xf32>
    %reduce_sum3A_11 = vector.multi_reduction <add>, %reduce_sum3A_9, %reduce_sum3A_10 [1, 2, 3] : vector<1x4x1024x32xf32> to vector<1xf32>
    %reduce_sum3A_12 = vector.shape_cast %reduce_sum3A_11 : vector<1xf32> to vector<1x1x1x1xf32>
    %reduce_sum3A_13 = vector.extract %reduce_sum3A_12[0, 0, 0, 0] : f32 from vector<1x1x1x1xf32>
    %div3A_14 = arith.constant 1.310720e+05 : f32
    %div3A_15 = arith.divf %reduce_sum3A_13, %div3A_14 : f32
    %sub3A_16 = vector.broadcast %div3A_15 : f32 to vector<4x1024x32xf32>
    %sub3A_17 = arith.subf %sub3A_8, %sub3A_16 : vector<4x1024x32xf32>
    %integer_pow3A = arith.mulf %sub3A_17, %sub3A_17 : vector<4x1024x32xf32>
    %reduce_sum3A_18 = vector.shape_cast %integer_pow3A : vector<4x1024x32xf32> to vector<1x4x1024x32xf32>
    %reduce_sum3A_19 = arith.constant dense<0.000000e+00> : vector<1xf32>
    %reduce_sum3A_20 = vector.multi_reduction <add>, %reduce_sum3A_18, %reduce_sum3A_19 [1, 2, 3] : vector<1x4x1024x32xf32> to vector<1xf32>
    %reduce_sum3A_21 = vector.shape_cast %reduce_sum3A_20 : vector<1xf32> to vector<1x1x1x1xf32>
    %reduce_sum3A_22 = vector.extract %reduce_sum3A_21[0, 0, 0, 0] : f32 from vector<1x1x1x1xf32>
    %div3A_23 = arith.constant 1.310710e+05 : f32
    %div3A_24 = arith.divf %reduce_sum3A_22, %div3A_23 : f32
    %sqrt3A = math.sqrt %div3A_24 : f32
    %add3A = arith.constant 9.99999974E-6 : f32
    %add3A_25 = arith.addf %sqrt3A, %add3A : f32
    %slice3A = vector.extract_strided_slice %sub3A_8 {offsets = [0, 0, 0], sizes = [1, 1024, 32], strides = [1, 1, 1]} : vector<4x1024x32xf32> to vector<1x1024x32xf32>
    %squeeze3A = vector.shape_cast %slice3A : vector<1x1024x32xf32> to vector<1024x32xf32>
    %div3A_26 = vector.broadcast %add3A_25 : f32 to vector<1024x32xf32>
    %div3A_27 = arith.divf %squeeze3A, %div3A_26 : vector<1024x32xf32>
    %get3A_28 = arith.constant 0 : index
    %get3A_29 = memref.load %arg2[%get3A_28] : memref<4xf32, #tpu.memory_space<smem>>
    %mul3A = vector.broadcast %get3A_29 : f32 to vector<1024x32xf32>
    %mul3A_30 = arith.mulf %div3A_27, %mul3A : vector<1024x32xf32>
    %get3A_31 = arith.constant 0 : index
    %get3A_32 = memref.load %arg3[%get3A_31] : memref<4xf32, #tpu.memory_space<smem>>
    %add3A_33 = vector.broadcast %get3A_32 : f32 to vector<1024x32xf32>
    %add3A_34 = arith.addf %mul3A_30, %add3A_33 : vector<1024x32xf32>
    %swap3A = arith.constant 0 : index
    %swap3A_35 = arith.constant 0 : index
    %swap3A_36 = arith.constant 0 : index
    %swap3A_37 = arith.constant 0 : index
    %swap3A_38 = vector.load %arg4[%swap3A, %swap3A_35, %swap3A_36, %swap3A_37] : memref<1x4x1024x32xf32, #tpu.memory_space<vmem>>, vector<1x1x1024x32xf32>
    %swap3A_39 = vector.shape_cast %swap3A_38 : vector<1x1x1024x32xf32> to vector<1024x32xf32>
    %swap3A_40 = vector.shape_cast %add3A_34 : vector<1024x32xf32> to vector<1x1x1024x32xf32>
    tpu.vector_store %arg4[%swap3A, %swap3A_35, %swap3A_36, %swap3A_37], %swap3A_40 {strides = array<i32>} : memref<1x4x1024x32xf32, #tpu.memory_space<vmem>>, vector<1x1x1024x32xf32>,
    %slice3A_41 = vector.extract_strided_slice %sub3A_8 {offsets = [1, 0, 0], sizes = [1, 1024, 32], strides = [1, 1, 1]} : vector<4x1024x32xf32> to vector<1x1024x32xf32>
    %squeeze3A_42 = vector.shape_cast %slice3A_41 : vector<1x1024x32xf32> to vector<1024x32xf32>
    %div3A_43 = vector.broadcast %add3A_25 : f32 to vector<1024x32xf32>
    %div3A_44 = arith.divf %squeeze3A_42, %div3A_43 : vector<1024x32xf32>
    %get3A_45 = arith.constant 1 : index
    %get3A_46 = memref.load %arg2[%get3A_45] : memref<4xf32, #tpu.memory_space<smem>>
    %mul3A_47 = vector.broadcast %get3A_46 : f32 to vector<1024x32xf32>
    %mul3A_48 = arith.mulf %div3A_44, %mul3A_47 : vector<1024x32xf32>
    %get3A_49 = arith.constant 1 : index
    %get3A_50 = memref.load %arg3[%get3A_49] : memref<4xf32, #tpu.memory_space<smem>>
    %add3A_51 = vector.broadcast %get3A_50 : f32 to vector<1024x32xf32>
    %add3A_52 = arith.addf %mul3A_48, %add3A_51 : vector<1024x32xf32>
    %swap3A_53 = arith.constant 0 : index
    %swap3A_54 = arith.constant 1 : index
    %swap3A_55 = arith.constant 0 : index
    %swap3A_56 = arith.constant 0 : index
    %swap3A_57 = vector.load %arg4[%swap3A_53, %swap3A_54, %swap3A_55, %swap3A_56] : memref<1x4x1024x32xf32, #tpu.memory_space<vmem>>, vector<1x1x1024x32xf32>
    %swap3A_58 = vector.shape_cast %swap3A_57 : vector<1x1x1024x32xf32> to vector<1024x32xf32>
    %swap3A_59 = vector.shape_cast %add3A_52 : vector<1024x32xf32> to vector<1x1x1024x32xf32>
    tpu.vector_store %arg4[%swap3A_53, %swap3A_54, %swap3A_55, %swap3A_56], %swap3A_59 {strides = array<i32>} : memref<1x4x1024x32xf32, #tpu.memory_space<vmem>>, vector<1x1x1024x32xf32>,
    %slice3A_60 = vector.extract_strided_slice %sub3A_8 {offsets = [2, 0, 0], sizes = [1, 1024, 32], strides = [1, 1, 1]} : vector<4x1024x32xf32> to vector<1x1024x32xf32>
    %squeeze3A_61 = vector.shape_cast %slice3A_60 : vector<1x1024x32xf32> to vector<1024x32xf32>
    %div3A_62 = vector.broadcast %add3A_25 : f32 to vector<1024x32xf32>
    %div3A_63 = arith.divf %squeeze3A_61, %div3A_62 : vector<1024x32xf32>
    %get3A_64 = arith.constant 2 : index
    %get3A_65 = memref.load %arg2[%get3A_64] : memref<4xf32, #tpu.memory_space<smem>>
    %mul3A_66 = vector.broadcast %get3A_65 : f32 to vector<1024x32xf32>
    %mul3A_67 = arith.mulf %div3A_63, %mul3A_66 : vector<1024x32xf32>
    %get3A_68 = arith.constant 2 : index
    %get3A_69 = memref.load %arg3[%get3A_68] : memref<4xf32, #tpu.memory_space<smem>>
    %add3A_70 = vector.broadcast %get3A_69 : f32 to vector<1024x32xf32>
    %add3A_71 = arith.addf %mul3A_67, %add3A_70 : vector<1024x32xf32>
    %swap3A_72 = arith.constant 0 : index
    %swap3A_73 = arith.constant 2 : index
    %swap3A_74 = arith.constant 0 : index
    %swap3A_75 = arith.constant 0 : index
    %swap3A_76 = vector.load %arg4[%swap3A_72, %swap3A_73, %swap3A_74, %swap3A_75] : memref<1x4x1024x32xf32, #tpu.memory_space<vmem>>, vector<1x1x1024x32xf32>
    %swap3A_77 = vector.shape_cast %swap3A_76 : vector<1x1x1024x32xf32> to vector<1024x32xf32>
    %swap3A_78 = vector.shape_cast %add3A_71 : vector<1024x32xf32> to vector<1x1x1024x32xf32>
    tpu.vector_store %arg4[%swap3A_72, %swap3A_73, %swap3A_74, %swap3A_75], %swap3A_78 {strides = array<i32>} : memref<1x4x1024x32xf32, #tpu.memory_space<vmem>>, vector<1x1x1024x32xf32>,
    %slice3A_79 = vector.extract_strided_slice %sub3A_8 {offsets = [3, 0, 0], sizes = [1, 1024, 32], strides = [1, 1, 1]} : vector<4x1024x32xf32> to vector<1x1024x32xf32>
    %squeeze3A_80 = vector.shape_cast %slice3A_79 : vector<1x1024x32xf32> to vector<1024x32xf32>
    %div3A_81 = vector.broadcast %add3A_25 : f32 to vector<1024x32xf32>
    %div3A_82 = arith.divf %squeeze3A_80, %div3A_81 : vector<1024x32xf32>
    %get3A_83 = arith.constant 3 : index
    %get3A_84 = memref.load %arg2[%get3A_83] : memref<4xf32, #tpu.memory_space<smem>>
    %mul3A_85 = vector.broadcast %get3A_84 : f32 to vector<1024x32xf32>
    %mul3A_86 = arith.mulf %div3A_82, %mul3A_85 : vector<1024x32xf32>
    %get3A_87 = arith.constant 3 : index
    %get3A_88 = memref.load %arg3[%get3A_87] : memref<4xf32, #tpu.memory_space<smem>>
    %add3A_89 = vector.broadcast %get3A_88 : f32 to vector<1024x32xf32>
    %add3A_90 = arith.addf %mul3A_86, %add3A_89 : vector<1024x32xf32>
    %swap3A_91 = arith.constant 0 : index
    %swap3A_92 = arith.constant 3 : index
    %swap3A_93 = arith.constant 0 : index
    %swap3A_94 = arith.constant 0 : index
    %swap3A_95 = vector.load %arg4[%swap3A_91, %swap3A_92, %swap3A_93, %swap3A_94] : memref<1x4x1024x32xf32, #tpu.memory_space<vmem>>, vector<1x1x1024x32xf32>
    %swap3A_96 = vector.shape_cast %swap3A_95 : vector<1x1x1024x32xf32> to vector<1024x32xf32>
    %swap3A_97 = vector.shape_cast %add3A_90 : vector<1024x32xf32> to vector<1x1x1024x32xf32>
    tpu.vector_store %arg4[%swap3A_91, %swap3A_92, %swap3A_93, %swap3A_94], %swap3A_97 {strides = array<i32>} : memref<1x4x1024x32xf32, #tpu.memory_space<vmem>>, vector<1x1x1024x32xf32>,
    return
  }
  func.func @transform_0(%arg0: i32) -> (i32, i32, i32, i32) {
    %c0_i32 = arith.constant 0 : i32
    %c0_i32_0 = arith.constant 0 : i32
    %c0_i32_1 = arith.constant 0 : i32
    %c0_i32_2 = arith.constant 0 : i32
    return %arg0, %c0_i32, %c0_i32_0, %c0_i32_1 : i32, i32, i32, i32
  }
  func.func @transform_1(%arg0: i32) -> i32 {
    %c0_i32 = arith.constant 0 : i32
    %c0_i32_0 = arith.constant 0 : i32
    return %c0_i32 : i32
  }
  func.func @transform_2(%arg0: i32) -> i32 {
    %c0_i32 = arith.constant 0 : i32
    %c0_i32_0 = arith.constant 0 : i32
    return %c0_i32 : i32
  }
  func.func @transform_3(%arg0: i32) -> (i32, i32, i32, i32) {
    %c0_i32 = arith.constant 0 : i32
    %c0_i32_0 = arith.constant 0 : i32
    %c0_i32_1 = arith.constant 0 : i32
    %c0_i32_2 = arith.constant 0 : i32
    return %arg0, %c0_i32, %c0_i32_0, %c0_i32_1 : i32, i32, i32, i32
  }
}

</mosaic_0001>

<sc_bundles>
// kernel: kernel.5.cloned.1.call-start
scs
__scs_entry_jumppad:
0x0: {  	(pc) =	sbr.rel $0x88, $3  }
0x1: {  	(tag) =	ssettag $0x0;
	lr =	simm.s32 $0x1  }
0x2: {  	[smem:$0x3F9D] =	sst lr;
	_ =	strace $0xD0000000  }
0x3: {  	_ = 	snop  }
0x4: {  	_ = 	snop  }
0x5: {  	_ = 	snop  }
0x6: {  	_ = 	snop  }
0x7: {  	_ = 	snop  }
__scs_overlays_trampoline_lowered:
0x8: {  	[smem:$0x3FAC] =	sst s0  }
0x9: {  	[smem:$0x3FAD] =	sst s1  }
0xa: {  	[smem:$0x3FAE] =	sst s2  }
0xb: {  	[smem:$0x3FAF] =	sst s3  }
0xc: {  	[smem:$0x3FB0] =	sst s4  }
0xd: {  	[smem:$0x3FB1] =	sst s5  }
0xe: {  	[smem:$0x3FB2] =	sst s6  }
0xf: {  	[smem:$0x3FB3] =	sst s7  }
0x10: {  	[smem:$0x3FB4] =	sst s8  }
0x11: {  	[smem:$0x3FB5] =	sst s9;
	s0 =	simm.s32 @!p0 $0x0  }
0x12: {  	s1 =	sld [smem:$0x3F9B];
	s0 =	simm.s32 @p0 $0x1  }
0x13: {  	[smem:$0x3FB6] =	sst s0;
	s0 =	simm.s32 @!p1 $0x0  }
0x14: {  	s2 =	sld [smem:$0x3F9A];
	s0 =	simm.s32 @p1 $0x1  }
0x15: {  	[smem:$0x3FB7] =	sst s0;
	s0 =	simm.s32 @!p2 $0x0  }
0x16: {  	s3 =	sld [smem:$0x3FDB];
	s0 =	simm.s32 @p2 $0x1  }
0x17: {  	s4 =	simm.s32 $0x1BF5;
	[smem:$0x3FB9] =	sst s0  }
0x18: {  	s0 =	sld [smem:$0x3F9C];
	_ =	swait.ge [sflag:s4], $0x0  }
0x19: {  	s7 =	sld [smem:$0x3F9D]  }
0x1a: {  	s8 =	sadd.s32 $0xFFFFE003, lr  }
0x1b: {  	s9 =	sadd.s32 $0xFFFFFEF7, lr;
	s5 =	simm.s32 $0xFFFFFFFF;
	p2 =	slt.u32 s8, $0xFFFFF086  }
0x1c: {  	p1 =	slt.u32 s9, $0xF7A;
	s5 =	simm.s32 @!p2 $0x0  }
0x1d: {  	s5 =	simm.s32 @p1 $0x1;
	p0 =	seq.s32 s7, s2  }
0x1e: {  	s7 =	smul.u32 @!p0 $0xF7A, s2;
	p2 =	seq.s32 @!p0 s5, $0x0  }
0x1f: {  	s9 =	smul.u32 $0xF7A, s1;
	s8 =	simm.s32 @!p0 $0x1BF5;
	p2 =	por !p2, p0  }
0x20: {  	[sflag:s8] =	ssyncset.s32 @!p0 $0xFFFFF086;
	s6 =	sadd.s32 @!p0 s3, s7;
	s7 =	simm.s32 @!p0 $0x108  }
0x21: {  	s3 =	sadd.s32 s3, s9;
	s6 =	sadd.s32 @!p0 $0x88, s6;
	s7 =	simm.s32 @p2 $0x1082  }
0x22: {  	[simem:s7], [sflag:s8] =	dma.local @!p0 [hbm:s6], $0xF7A  }
0x23: {  	s9 =	sor.u32 $0xD0000000, s2;
	s6 =	simm.s32 $0x108;
	_ =	swait.ge @!p0 [sflag:s8], $0x0  }
0x24: {  	s3 =	sadd.s32 $0x88, s3;
	s6 =	simm.s32 @!p1 $0x1082;
	[sflag:s4] =	ssyncset.s32 $0xFFFFF086  }
0x25: {  	[simem:s6], [sflag:s4] =	dma.local [hbm:s3], $0xF7A  }
0x26: {  	[smem:$0x3F9D] =	sst s1;
	(tag) =	ssettag s2;
	_ =	strace s9  }
0x27: {  	s1 =	sld [smem:$0x3FAD]  }
0x28: {  	s2 =	sld [smem:$0x3FAE]  }
0x29: {  	s4 =	sld [smem:$0x3FB0]  }
0x2a: {  	p0 =	seq.s32 s5, $0x0;
	s5 =	sld [smem:$0x3FB1]  }
0x2b: {  	s6 =	sld [smem:$0x3FB2]  }
0x2c: {  	s7 =	sld [smem:$0x3FB3]  }
0x2d: {  	s3 =	simm.s32 $0x108;
	s8 =	sld [smem:$0x3FB4]  }
0x2e: {  	s3 =	simm.s32 @!p0 $0x1082;
	s9 =	sld [smem:$0x3FB5]  }
0x2f: {  	lr =	sadd.s32 s0, s3;
	s0 =	sld [smem:$0x3FAC]  }
0x30: {  	s3 =	sld [smem:$0x3FAF]  }
0x31: {  	[smem:$0x3FB8] =	sst s10  }
0x32: {  	s10 =	sld [smem:$0x3FB6];
	_ =	sdelay $0x3  }
0x33: {  	p0 =	seq.s32 s10, $0x1;
	s10 =	sld [smem:$0x3FB8];
	_ =	sdelay $0x3  }
0x34: {  	[smem:$0x3FB8] =	sst s10  }
0x35: {  	s10 =	sld [smem:$0x3FB7];
	_ =	sdelay $0x3  }
0x36: {  	p1 =	seq.s32 s10, $0x1;
	s10 =	sld [smem:$0x3FB8];
	_ =	sdelay $0x3  }
0x37: {  	[smem:$0x3FB8] =	sst s10  }
0x38: {  	s10 =	sld [smem:$0x3FB9]  }
0x39: {  	_ = 	snop;
	(pc) =	sbr.ind lr, $3  }
0x3a: {  	_ = 	snop  }
0x3b: {  	_ = 	snop  }
0x3c: {  	p2 =	seq.s32 s10, $0x1;
	s10 =	sld [smem:$0x3FB8]  }
0x3d: {  	_ =	shalt  }
0x3e: {  	_ =	shalt  }
0x3f: {  	_ =	shalt  }
0x40: {  	_ =	shalt  }
0x41: {  	_ =	shalt  }
0x42: {  	_ =	shalt  }
0x43: {  	_ =	shalt  }
0x44: {  	_ =	shalt  }
0x45: {  	_ =	shalt  }
0x46: {  	_ =	shalt  }
0x47: {  	_ =	shalt  }
0x48: {  	_ =	shalt  }
0x49: {  	_ =	shalt  }
0x4a: {  	_ =	shalt  }
0x4b: {  	_ =	shalt  }
0x4c: {  	_ =	shalt  }
0x4d: {  	_ =	shalt  }
0x4e: {  	_ =	shalt  }
0x4f: {  	_ =	shalt  }
0x50: {  	_ =	shalt  }
0x51: {  	_ =	shalt  }
0x52: {  	_ =	shalt  }
0x53: {  	_ =	shalt  }
0x54: {  	_ =	shalt  }
0x55: {  	_ =	shalt  }
0x56: {  	_ =	shalt  }
0x57: {  	_ =	shalt  }
0x58: {  	_ =	shalt  }
0x59: {  	_ =	shalt  }
0x5a: {  	_ =	shalt  }
0x5b: {  	_ =	shalt  }
0x5c: {  	_ =	shalt  }
0x5d: {  	_ =	shalt  }
0x5e: {  	_ =	shalt  }
0x5f: {  	_ =	shalt  }
0x60: {  	_ =	shalt  }
0x61: {  	_ =	shalt  }
0x62: {  	_ =	shalt  }
0x63: {  	_ =	shalt  }
0x64: {  	_ =	shalt  }
0x65: {  	_ =	shalt  }
0x66: {  	_ =	shalt  }
0x67: {  	_ =	shalt  }
0x68: {  	_ =	shalt  }
0x69: {  	_ =	shalt  }
0x6a: {  	_ =	shalt  }
0x6b: {  	_ =	shalt  }
0x6c: {  	_ =	shalt  }
0x6d: {  	_ =	shalt  }
0x6e: {  	_ =	shalt  }
0x6f: {  	_ =	shalt  }
0x70: {  	_ =	shalt  }
0x71: {  	_ =	shalt  }
0x72: {  	_ =	shalt  }
0x73: {  	_ =	shalt  }
0x74: {  	_ =	shalt  }
0x75: {  	_ =	shalt  }
0x76: {  	_ =	shalt  }
0x77: {  	_ =	shalt  }
0x78: {  	_ =	shalt  }
0x79: {  	_ =	shalt  }
0x7a: {  	_ =	shalt  }
0x7b: {  	_ =	shalt  }
0x7c: {  	_ =	shalt  }
0x7d: {  	_ =	shalt  }
0x7e: {  	_ =	shalt  }
0x7f: {  	_ =	shalt  }
0x80: {  	_ =	shalt  }
0x81: {  	_ =	shalt  }
0x82: {  	_ =	shalt  }
0x83: {  	_ =	shalt  }
0x84: {  	_ =	shalt  }
0x85: {  	_ =	shalt  }
0x86: {  	_ =	shalt  }
0x87: {  	_ =	shalt  }
.Lfunc_end0:
.L_simem_size_0:
called_computation_lowered:
.L_overlay_start_0:
0x88: {  	s2 =	sld [smem:$0x3FD9]  }
0x89: {  	s3 =	sld [smem:$0x3FFE];
	_ =	sdelay $0x1  }
0x8a: {  	s1 =	srdreg.scid  }
0x8b: {  	s0 =	sand.u32 $0x1, s1  }
0x8c: {  	s14 =	sshll.u32 s0, $0xA;
	s2 =	sadd.s32 s3, s2  }
0x8d: {  	s2 =	sadd.s32 s2, s14  }
0x8e: {  	[smem:$0x3FC4] =	sst s2  }
0x8f: {  	_ = 	snop  }
0x90: {  	s2 =	sld [smem:$0x3FD0];
	_ =	sdelay $0x2  }
0x91: {  	s15 =	simm.s32 $0xA;
	s4 =	simm.s32 $0x10  }
0x92: {  	[smem:s4], [sflag:s15] =	dma.local [hbm:s2], $0x1  }
0x93: {  	_ =	swait.eq [sflag:s15], $0x1  }
0x94: {  	[sflag:s15] =	ssyncset.done $0x0  }
0x95: {  	[sflag:s15] =	ssyncadd.s32 $0xFFFFFFFF  }
0x96: {  	s16 =	sld [smem:$0x11];
	(tm) =	ssettm $0x1  }
0x97: {  	s17 =	sld [smem:$0x3FFB];
	_ =	sdelay $0x3  }
0x98: {  	_ =	strace s17  }
0x99: {  	s3 =	sld [smem:$0x3FFC];
	_ =	sdelay $0x3  }
0x9a: {  	_ =	strace s3  }
0x9b: {  	s3 =	sld [smem:$0x3FFD];
	_ =	sdelay $0x3  }
0x9c: {  	_ =	strace s3  }
0x9d: {  	_ =	strace $0x8FFFFFFF  }
0x9e: {  	s18 =	sld [smem:$0x3FDB];
	_ =	sdelay $0x1  }
0x9f: {  	s19 =	simm.s32 $_scs_section_size  }
0xa0: {  	s5 =	simm.s32 $_size__tile_overlayer_lowered;
	s6 =	simm.s32 $_tile_overlayer_lowered  }
0xa1: {  	s22 =	simm.s32 $0x1BFF;
	s21 =	sshll.u32 s6, $0x1;
	s3 =	sadd.s32 s19, s18  }
0xa2: {  	s7 =	simm.s32 $0x0;
	s20 =	sshll.u32 s5, $0x1;
	s5 =	sadd.s32 s21, s3  }
0xa3: {  	[timem:s7], [sflag:s22] =	dma.local [hbm:s5], s20  }
0xa4: {  	_ =	swait.ge [sflag:s22], s20  }
0xa5: {  	s4 =	ssub.s32 $0x0, s20;
	[sflag:s22] =	ssyncset.done $0x0  }
0xa6: {  	[sflag:s22] =	ssyncadd.s32 s4;
	_ =	sdelay $0x1  }
0xa7: {  	s23 =	simm.s32 $0x1B8B  }
0xa8: {  	_ =	swait.ge [sflag:s23], $0x1  }
0xa9: {  	[sflag:s23] =	ssyncset.done $0x0  }
0xaa: {  	s25 =	simm.s32 $0x1B8E;
	s24 =	sld [smem:$0x3FFE];
	[sflag:s23] =	ssyncadd.s32 $0xFFFFFFFF  }
0xab: {  	s26 =	simm.s32 $execute0_lowered;
	[smem:$0x3FD2] =	sst s25  }
0xac: {  	s5 =	sshll.u32 s26, $0x1;
	_ =	strace $0x80000046;
	[dreg:$0x1] =	wrdreg $0xFFFFFFFF  }
0xad: {  	s28 =	simm.s32 $_size_execute0_lowered;
	s3 =	sadd.s32 s3, s5;
	[dreg:$0x0] =	wrdreg $0x0  }
0xae: {  	s5 =	sshll.u32 s28, $0x1;
	[dreg:$0x2] =	wrdreg s3  }
0xaf: {  	[dreg:$0x3] =	wrdreg s5  }
0xb0: {  	[dreg:$0x4] =	wrdreg $0xC0  }
0xb1: {  	_ =	task [dreg:s7], $0x5FFFF  }
0xb2: {  	[dreg:$0x1] =	wrdreg $0xFFFFFFFF  }
0xb3: {  	[dreg:$0x0] =	wrdreg $0x60  }
0xb4: {  	[dreg:$0x2] =	wrdreg s24  }
0xb5: {  	[dreg:$0x3] =	wrdreg s16  }
0xb6: {  	[dreg:$0x4] =	wrdreg $0x9  }
0xb7: {  	_ =	task.clear_ibuf [dreg:s7], $0x5FFFF;
	_ =	strace $0x90000046  }
0xb8: {  	s29 =	simm.s32 $0x9;
	_ =	strace $0x80000048  }
0xb9: {  	_ =	swait.ge [sflag:s29], $0x1  }
0xba: {  	[sflag:s29] =	ssyncadd.s32 $0xFFFFFFFF  }
0xbb: {  	_ =	strace $0x90000048  }
0xbc: {  	_ =	sfence  }
0xbd: {  	s30 =	sld [smem:$0x0];
	_ =	sdelay $0x2  }
0xbe: {  	s31 =	sshll.u32 s1, $0xD;
	s1 =	sshrl.u32 s1, $0x2  }
0xbf: {  	s3 =	sand.u32 $0x4000, s31;
	s1 =	sadd.s32 s1, s30  }
0xc0: {  	s0 =	sor.u32 s3, s0;
	s1 =	sshll.u32 s1, $0x11  }
0xc1: {  	s0 =	sor.u32 s1, s0  }
0xc2: {  	s0 =	sadd.s32 $0x8F2B, s0  }
0xc3: {  	[sflag:s0] =	ssyncadd.remote.s32 $0x1  }
0xc4: {  	_ =	sfence.sel $0xFFFF  }
0xc5: {  	[dreg:$0x0] =	wrdreg $0xFFFFFFFF;
	(pc) =	sbr.abs _section_cstart, $3  }
0xc6: {  	[dreg:$0x1] =	wrdreg $0xFFFFFFFF  }
0xc7: {  	_ =	task.clear_ibuf [dreg:s7], $0x2FFFF;
	_ =	strace $0x9FFFFFFF  }
0xc8: {  	(tm) =	ssettm $0x7FFFFFFF  }
0xc9: {  	_ =	shalt  }
tec
execute0_lowered:
.L_overlay_start_1:
0x0: {  	(tag) =	ssettag $0x1  }
0x1: {  	s0 =	rddreg [dreg:$0x0]  }
0x2: {  	s1 =	rddreg [dreg:$0x1]  }
0x3: {  	s4 =	stileid.u32;
	s2 =	srdreg.scid;
	s5 =	simm.s32 $0x0  }
0x4: {  	s18 =	simm.s32 $0x80;
	s19 =	simm.s32 $0x400;
	s20 =	simm.s32 $0x1  }
0x5: {  	s31 =	simm.s32 $0x200;
	s22 =	simm.s32 $0x0;
	s3 =	sshll.u32 s4, $0x1  }
0x6: {  	s2 =	sand.u32 $0x1, s2;
	[smem:$0x7FF] =	sst s5;
	s7 =	sshrl.u32 s4, $0x1  }
0x7: {  	s3 =	sand.u32 $0x2, s3;
	s28 =	sshll.u32 s7, $0x4;
	_ =	strace $0x80000047  }
0x8: {  	s10 =	sshll.u32 s7, $0xE;
	s8 =	sor.u32 s2, s3;
	s2 =	ssub.s32 $0x2, s2  }
0x9: {  	s9 =	sadd.s32 s28, s0;
	s29 =	sshll.u32 s8, $0x8;
	s30 =	sshrl.u32 s2, $0x1  }
0xa: {  	s3 =	sadd.s32 $0x6200, s9;
	s5 =	sadd.s32 $0x7200, s9;
	s6 =	sadd.s32 $0x3200, s9  }
0xb: {  	s11 =	sshll.u32 s8, $0xC;
	s7 =	sadd.s32 $0x2200, s9;
	s8 =	sadd.s32 $0x5200, s9  }
0xc: {  	s4 =	sor.u32 s28, s29;
	s2 =	ssub.s32 s2, s30;
	[dreg:$0x3] =	wrdreg s3  }
0xd: {  	s11 =	sor.u32 s10, s11;
	s0 =	sadd.s32 s4, s0;
	s4 =	sadd.s32 $0x8200, s9  }
0xe: {  	s9 =	sadd.s32 $0x4200, s9;
	s11 =	sadd.s32 s1, s11;
	s17 =	smax.u32 s2, $0x1  }
0xf: {  	v0 =	vimm.s32 $0x0;
	v2 =	vlaneseq.u32;
	s10 =	sadd.s32 $0x9600, s0;
	s12 =	sadd.s32 $0x9A00, s0;
	s13 =	sadd.s32 $0x9200, s0  }
0x10: {  	vm0 =	vmmov $0x1;
	v1 =	vadd.s32 $0x1, v2;
	v2 =	vadd.s32 $0x11, v2;
	s14 =	sadd.s32 $0x10, s11;
	s15 =	sadd.s32 $0x20, s11;
	s16 =	sadd.s32 $0x30, s11  }
.LBB2_1:
0x11: {  	s0 =	simm.s32 $0x0;
	s1 =	rddreg [dreg:$0x3]  }
0x12: {  	[tilespmem:s0], [sflag:$0x1] =	stream.strided.gather [hbm4b:s1+s18], $0x1000, s19, s18, $0x38;
	[tilespmem:$0xF680] =	vst v63  }
0x13: {  	_ =	swait.ge [sflag:s20], $0x1000  }
0x14: {  	[sflag:s20] =	ssyncset.done $0x0  }
0x15: {  	s3 =	simm.s32 $0x1000;
	[sflag:s20] =	ssyncadd.s32 $0xFFFFF000  }
0x16: {  	[tilespmem:s3], [sflag:$0x1] =	stream.strided.gather [hbm4b:s4+s18], $0x1000, s19, s18, $0x38;
	[tilespmem:$0xF680] =	vst v63  }
0x17: {  	_ =	swait.ge [sflag:s20], $0x1000  }
0x18: {  	[sflag:s20] =	ssyncset.done $0x0  }
0x19: {  	s21 =	simm.s32 $0x2000;
	[sflag:s20] =	ssyncadd.s32 $0xFFFFF000  }
0x1a: {  	[tilespmem:s21], [sflag:$0x1] =	stream.strided.gather [hbm4b:s5+s18], $0x1000, s19, s18, $0x38;
	[tilespmem:$0xF680] =	vst v63  }
0x1b: {  	_ =	swait.ge [sflag:s20], $0x1000  }
0x1c: {  	[sflag:s20] =	ssyncset.done $0x0  }
0x1d: {  	s23 =	simm.s32 $0x3000;
	[sflag:s20] =	ssyncadd.s32 $0xFFFFF000  }
0x1e: {  	[tilespmem:s23], [sflag:$0x1] =	stream.strided.gather [hbm4b:s6+s18], $0x1000, s19, s18, $0x38;
	[tilespmem:$0xF680] =	vst v63  }
0x1f: {  	_ =	swait.ge [sflag:s20], $0x1000  }
0x20: {  	[sflag:s20] =	ssyncset.done $0x0  }
0x21: {  	s24 =	simm.s32 $0x4000;
	[sflag:s20] =	ssyncadd.s32 $0xFFFFF000  }
0x22: {  	[tilespmem:s24], [sflag:$0x1] =	stream.strided.gather [hbm4b:s7+s18], $0x1000, s19, s18, $0x38;
	[tilespmem:$0xF680] =	vst v63  }
0x23: {  	_ =	swait.ge [sflag:s20], $0x1000  }
0x24: {  	[sflag:s20] =	ssyncset.done $0x0  }
0x25: {  	s25 =	simm.s32 $0x5000;
	[sflag:s20] =	ssyncadd.s32 $0xFFFFF000  }
0x26: {  	[tilespmem:s25], [sflag:$0x1] =	stream.strided.gather [hbm4b:s8+s18], $0x1000, s19, s18, $0x38;
	[tilespmem:$0xF680] =	vst v63  }
0x27: {  	_ =	swait.ge [sflag:s20], $0x1000  }
0x28: {  	[sflag:s20] =	ssyncset.done $0x0  }
0x29: {  	s26 =	simm.s32 $0x6000;
	[sflag:s20] =	ssyncadd.s32 $0xFFFFF000  }
0x2a: {  	[tilespmem:s26], [sflag:$0x1] =	stream.strided.gather [hbm4b:s9+s18], $0x1000, s19, s18, $0x38;
	[tilespmem:$0xF680] =	vst v63  }
0x2b: {  	_ =	swait.ge [sflag:s20], $0x1000  }
0x2c: {  	[sflag:s20] =	ssyncset.done $0x0  }
0x2d: {  	s28 =	simm.s32 $0x7000;
	[sflag:s20] =	ssyncadd.s32 $0xFFFFF000  }
0x2e: {  	[tilespmem:s28], [sflag:$0x1] =	stream.strided.gather [hbm4b:s10+s18], $0x100, s19, s18, $0x38;
	[tilespmem:$0xF680] =	vst v63  }
0x2f: {  	_ =	swait.ge [sflag:s20], $0x100  }
0x30: {  	[sflag:s20] =	ssyncset.done $0x0  }
0x31: {  	s29 =	simm.s32 $0x7180;
	[sflag:s20] =	ssyncadd.s32 $0xFFFFFF00  }
0x32: {  	[tilespmem:s29], [sflag:$0x1] =	stream.strided.gather [hbm4b:s12+s18], $0x100, s19, s18, $0x38;
	[tilespmem:$0xF680] =	vst v63  }
0x33: {  	_ =	swait.ge [sflag:s20], $0x100  }
0x34: {  	[sflag:s20] =	ssyncset.done $0x0  }
0x35: {  	s30 =	simm.s32 $0x7300;
	[sflag:s20] =	ssyncadd.s32 $0xFFFFFF00  }
0x36: {  	[tilespmem:s30], [sflag:$0x1] =	stream.strided.gather [hbm4b:s13+s18], $0x100, s19, s18, $0x38;
	[tilespmem:$0xF680] =	vst v63  }
0x37: {  	_ =	swait.ge [sflag:s20], $0x100  }
0x38: {  	[sflag:s20] =	ssyncset.done $0x0  }
0x39: {  	s23 =	simm.s32 $0x0;
	[sflag:s20] =	ssyncadd.s32 $0xFFFFFF00  }
.LBB2_2:
0x3a: {  	s24 =	sshll.u32 s23, $0x5  }
0x3b: {  	v3 =	vld.msk [tilespmem:s23+$0x7000 ss:$0x0], $0xffff;
	s1 =	simm.s32 $0x0;
	s26 =	simm.s32 $0x1000;
	s28 =	simm.s32 $0x2000  }
0x3c: {  	v4 =	vld.msk [tilespmem:s23+$0x7180 ss:$0x0], $0xffff;
	s29 =	simm.s32 $0x5000;
	s30 =	simm.s32 $0x6000;
	s0 =	simm.s32 $0x3000  }
0x3d: {  	v5 =	vld.msk [tilespmem:s23+$0x7300 ss:$0x0], $0xffff;
	s2 =	simm.s32 $0x4000;
	s21 =	simm.s32 $0x0;
	s25 =	simm.s32 $0x0;
	v6 =	vmov s24  }
.LBB2_3:
0x3e: {  	v7 =	vld [tilespmem:s21+$0x0]  }
0x3f: {  	v8 =	vld [tilespmem:s26+$0x0];
	_ =	sdelay $0x4  }
0x40: {  	v7 =	vmul.f32 v7, v3;
	v8 =	vmul.f32 v8, v4;
	_ =	sdelay $0x1  }
0x41: {  	v7 =	vadd.f32 v8, v7  }
0x42: {  	v8 =	vld [tilespmem:s28+$0x0]  }
0x43: {  	v7 =	vadd.f32 v7, v7;
	_ =	sdelay $0x1  }
0x44: {  	v7 =	vsub.f32 v5, v7;
	_ =	sdelay $0x1  }
0x45: {  	v7 =	vadd.f32 v7, v8;
	_ =	sdelay $0x1  }
0x46: {  	vm1 =	vle.f32 v7, $9.000000350e-02  }
0x47: {  	v7 =	vsel vm1, $0x1, v0  }
0x48: {  	v8 =	vld [tilespmem:s29+$0x0];
	(xrf0) =	vadd.scan.msk.s32 $0xffff, v7;
	_ =	sdelay $0x4  }
0x49: {  	[tilespmem:v6+s25+$0x7480 ss:$0x1] =	vst.idx.msk vm1, v8  }
0x4a: {  	v7 =	vld [tilespmem:s30+$0x0];
	v8, _, _ =	vpop (xrf0)  }
0x4b: {  	(v2sf) =	vpush v8, $0xF;
	_ =	sdelay $0x3  }
0x4c: {  	[tilespmem:v6+s25+$0x9500 ss:$0x1] =	vst.idx.msk vm1, v7  }
0x4d: {  	v7 =	vld [tilespmem:s0+$0x0];
	_ =	sdelay $0x4  }
0x4e: {  	[tilespmem:v6+s25+$0xB580 ss:$0x1] =	vst.idx.msk vm1, v7  }
0x4f: {  	v7 =	vld [tilespmem:s2+$0x0];
	_ =	sdelay $0x3  }
0x50: {  	s3 =	spop (v2sf)  }
0x51: {  	[tilespmem:v6+s25+$0xD600 ss:$0x1] =	vst.idx.msk vm1, v7;
	s25 =	sadd.s32 s25, s3  }
0x52: {  	p0 =	sgt.s32 s25, $0x1F  }
0x53: {  	p1 =	slt.u32 @!p0 s1, $0xFF  }
0x54: {  	p0 =	por p0, !p1  }
.Ltmp0:
0x55: {  	_ = 	snop;
	(pc) =	sbr.rel @!p0 .LBB2_3-.Ltmp0, $4  }
0x56: {  	_ = 	snop  }
0x57: {  	s21 =	sadd.s32 $0x10, s21;
	s26 =	sadd.s32 $0x10, s26;
	s28 =	sadd.s32 $0x10, s28  }
0x58: {  	s29 =	sadd.s32 $0x10, s29;
	s30 =	sadd.s32 $0x10, s30;
	s3 =	sadd.s32 $0x1, s1  }
0x59: {  	s0 =	sadd.s32 $0x10, s0;
	s2 =	sadd.s32 $0x10, s2;
	s1 =	smov.u32 s3  }
0x5a: {  	v3 =	vld [tilespmem:s24+$0x7480];
	_ =	sdelay $0x1  }
0x5b: {  	v4 =	vld [tilespmem:s24+$0x9500];
	_ =	sdelay $0x1  }
0x5c: {  	v5 =	vld [tilespmem:s24+$0xB580]  }
0x5d: {  	v6 =	vnsel vm0, $0x0, v3  }
0x5e: {  	v54 =	vld [tilespmem:s24+$0xD600];
	(xrf2) =	vadd.scan.msk.f32 $0xffff, v6  }
0x5f: {  	v7 =	vnsel vm0, $0x0, v4  }
0x60: {  	(xrf2) =	vadd.scan.msk.f32 $0xffff, v7  }
0x61: {  	v55 =	vnsel vm0, $0x0, v5  }
0x62: {  	(xrf2) =	vadd.scan.msk.f32 $0xffff, v55  }
0x63: {  	v56 =	vnsel vm0, $0x0, v54  }
0x64: {  	(xrf2) =	vadd.scan.msk.f32 $0xffff, v56;
	_ =	sdelay $0x2  }
0x65: {  	p0 =	slt.s32 s25, $0x20;
	v57 =	vld [tilespmem:s24+$0x7490]  }
0x66: {  	s25 =	simm.s32 @!p0 $0x20;
	v8, _, _ =	vpop (xrf2)  }
0x67: {  	v10 =	vld [tilespmem:s24+$0x9510];
	v9 =	vmov s25;
	v8 =	vbroadcast v8, $0xF  }
0x68: {  	vm1 =	vlt.s32 v9, v1;
	v11, _, _ =	vpop (xrf2)  }
0x69: {  	v59 =	vld [tilespmem:s24+$0xB590];
	vm2 =	vlt.s32 v9, v2;
	v58 =	vbroadcast v11, $0xF;
	v3 =	vsel vm1, v8, v3  }
0x6a: {  	v12, _, _ =	vpop (xrf2);
	[tilespmem:s24+$0x7480] =	vst v3;
	v3 =	vsel vm2, v8, v57  }
0x6b: {  	v61 =	vld [tilespmem:s24+$0xD610];
	s23 =	sadd.s32 $0x1, s23;
	v60 =	vbroadcast v12, $0xF;
	[tilespmem:s24+$0x7490] =	vst v3;
	v3 =	vsel vm1, v58, v4  }
0x6c: {  	p0 =	sne.s32 s23, $0x100;
	v62, _, _ =	vpop (xrf2);
	[tilespmem:s24+$0x9500] =	vst v3;
	v3 =	vsel vm2, v58, v10  }
.Ltmp1:
0x6d: {  	v63 =	vbroadcast v62, $0xF;
	[tilespmem:s24+$0x9510] =	vst v3;
	v3 =	vsel vm1, v60, v5;
	(pc) =	sbr.rel @p0 .LBB2_2-.Ltmp1, $4  }
0x6e: {  	[tilespmem:s24+$0xB580] =	vst v3;
	v3 =	vsel vm2, v60, v59  }
0x6f: {  	[tilespmem:s24+$0xB590] =	vst v3;
	v3 =	vsel vm1, v63, v54  }
0x70: {  	[tilespmem:s24+$0xD600] =	vst v3;
	v3 =	vsel vm2, v63, v61  }
0x71: {  	[tilespmem:s24+$0xD610] =	vst v3  }
0x72: {  	s0 =	simm.s32 $0x7480  }
0x73: {  	[hbm4b:s11+s18] =	stream.strided.scatter [tilespmem:s0], [sflag:$0x1], $0x2000, s31, s18, $0x38;
	[tilespmem:$0xF680] =	vst v63  }
0x74: {  	_ =	swait.ge [sflag:s20], $0x2000  }
0x75: {  	[sflag:s20] =	ssyncset.done $0x0  }
0x76: {  	s28 =	simm.s32 $0x9500;
	[sflag:s20] =	ssyncadd.s32 $0xFFFFE000  }
0x77: {  	[hbm4b:s14+s18] =	stream.strided.scatter [tilespmem:s28], [sflag:$0x1], $0x2000, s31, s18, $0x38;
	[tilespmem:$0xF680] =	vst v63  }
0x78: {  	_ =	swait.ge [sflag:s20], $0x2000  }
0x79: {  	[sflag:s20] =	ssyncset.done $0x0  }
0x7a: {  	s29 =	simm.s32 $0xB580;
	[sflag:s20] =	ssyncadd.s32 $0xFFFFE000  }
0x7b: {  	[hbm4b:s15+s18] =	stream.strided.scatter [tilespmem:s29], [sflag:$0x1], $0x2000, s31, s18, $0x38;
	[tilespmem:$0xF680] =	vst v63  }
0x7c: {  	s22 =	sadd.s32 $0x1, s22;
	_ =	swait.ge [sflag:s20], $0x2000  }
0x7d: {  	p0 =	sne.s32 s22, s17;
	[sflag:s20] =	ssyncset.done $0x0  }
.Ltmp2:
0x7e: {  	s30 =	simm.s32 $0xD600;
	[sflag:s20] =	ssyncadd.s32 $0xFFFFE000;
	(pc) =	sbr.rel @p0 .LBB2_1-.Ltmp2, $4  }
0x7f: {  	[hbm4b:s16+s18] =	stream.strided.scatter [tilespmem:s30], [sflag:$0x1], $0x2000, s31, s18, $0x38;
	[tilespmem:$0xF680] =	vst v63  }
0x80: {  	_ =	swait.ge [sflag:s20], $0x2000  }
0x81: {  	[sflag:s20] =	ssyncset.done $0x0  }
0x82: {  	[sflag:s20] =	ssyncadd.s32 $0xFFFFE000  }
0x83: {  	_ =	sfence.sel $0x180000  }
0x84: {  	[bflag:$0x0] =	sbarrier.arrive $0xFFFF  }
0x85: {  	_ =	strace $0x90000047  }
0x86: {  	s0 =	stileid.u32;
	[bflag:$0x2] =	sbarrier.arrive $0xFFFF  }
0x87: {  	p0 =	sne.s32 s0, $0x0;
	s0 =	rddreg [dreg:$0x2]  }
0x88: {  	s0 =	sadd.s32 @!p0 $0x100000, s0  }
0x89: {  	[sflag:s0] =	ssyncadd.tile.s32 @!p0 $0x1;
	_ =	shalt  }
.Lfunc_end2:
_tile_overlayer_lowered:
.L_overlay_start_2:
0x8a: {  	(tag) =	ssettag $0x2  }
0x8b: {  	s0 =	rddreg [dreg:$0x0];
	s2 =	stileid.u32  }
0x8c: {  	s1 =	rddreg [dreg:$0x1];
	p0 =	sne.s32 s2, $0x0  }
0x8d: {  	s3 =	rddreg [dreg:$0x2];
	[bflag:$0x3] =	sbarrier.arrive $0xFFFF;
	s2 =	simm.s32 @!p0 $0x1C01  }
0x8e: {  	[timem:s3], [sflag:s2] =	dma.local @!p0 [hbm:s0], s1  }
0x8f: {  	s0 =	simm.s32 @!p0 $0x1  }
0x90: {  	_ =	swait.ge @!p0 [sflag:s0], s1  }
0x91: {  	s1 =	ssub.s32 @!p0 $0x0, s1;
	[sflag:s0] =	ssyncset.done @!p0 $0x0  }
0x92: {  	[sflag:s0] =	ssyncadd.s32 @!p0 s1  }
0x93: {  	[bflag:$0x3] =	sbarrier.arrive $0xFFFF  }
0x94: {  	_ =	shalt  }

</sc_bundles>
